<compile_context>
chip_gen: v7x
topology: tpu7x:2x2x1
jax: 0.10.2.dev20260603
libtpu: 0.0.44.dev20260713+nightly
codegen_flags: <defaults>
</compile_context>

<pallas_src>
import functools

import jax
import jax.numpy as jnp
from jax import lax
from jax.experimental import pallas as pl
from jax.experimental.pallas import tpu as pltpu
from jax.experimental.pallas import tpu_sc as plsc

N_EXAMPLES = 100000
N_CLASSES = 128
BATCH = 4096
BETA = 0.3
LAM = 3.0

NC = 2
NS = 16
NW = NC * NS
ROWS_PER_TILE = BATCH // NW
NCHUNK = BATCH // 16
GRID = 4
GB = BATCH // GRID


def _stage1_body(out_ref, label_ref, pred_ref, ce_ref):
    x = out_ref[...]
    e = jnp.exp(x)
    se = jnp.sum(e, axis=1, keepdims=True)
    pred_ref[...] = jnp.clip(e * (1.0 / se), 0.0001, 1.0 - 0.0001)
    lab = label_ref[...]
    cols = lax.broadcasted_iota(jnp.int32, x.shape, 1)
    x_lab = jnp.sum(jnp.where(cols == lab, x, 0.0), axis=1, keepdims=True)
    logp_lab = x_lab - jnp.log(se)
    ce_ref[...] = jnp.reshape(-jnp.sum(logp_lab) / BATCH, (1, 1))


_stage1 = pl.pallas_call(
    _stage1_body,
    out_shape=(
        jax.ShapeDtypeStruct((BATCH, N_CLASSES), jnp.float32),
        jax.ShapeDtypeStruct((1, 1), jnp.float32),
    ),
)


UNROLL = 4


def _sc_body(idx_hbm, logits_hbm, lo_rows_hbm,
             table, idxv, wv, lobuf, sem_g, sem_w, sem_i):
    wid = lax.axis_index("s") * NC + lax.axis_index("c")
    base = wid * ROWS_PER_TILE

    half = BATCH // 2
    pltpu.sync_copy(idx_hbm.at[pl.ds(0, half)], idxv.at[pl.ds(0, half)])
    second = pltpu.async_copy(idx_hbm.at[pl.ds(half, half)],
                              idxv.at[pl.ds(half, half)], sem_i)

    def chunk_body(i, pos):
        keys = []
        for u in range(UNROLL):
            c = i * UNROLL + u
            off = pl.multiple_of(c * 16, 16)
            keys.append(idxv[pl.ds(off, 16)])
        lasts = [plsc.scan_count(k)[1] for k in keys]
        for u in range(UNROLL):
            plsc.store_scatter(table, [keys[u]], pos + (u * 16),
                               mask=lasts[u])
        return pos + (UNROLL * 16)

    pos = lax.fori_loop(0, NCHUNK // (2 * UNROLL), chunk_body,
                        lax.iota(jnp.int32, 16))
    second.wait()
    lax.fori_loop(NCHUNK // (2 * UNROLL), NCHUNK // UNROLL,
                  chunk_body, pos)

    for c in range(ROWS_PER_TILE // 16):
        keys = idxv[pl.ds(base + c * 16, 16)]
        w = plsc.load_gather(table, [keys])
        wv[pl.ds(c * 16, 16)] = w

    hrows = ROWS_PER_TILE // 2
    g0 = pltpu.async_copy(logits_hbm.at[wv.at[pl.ds(0, hrows)]],
                          lobuf.at[pl.ds(0, hrows)], sem_g)
    g1 = pltpu.async_copy(logits_hbm.at[wv.at[pl.ds(hrows, hrows)]],
                          lobuf.at[pl.ds(hrows, hrows)], sem_i)
    g0.wait()
    w0 = pltpu.async_copy(lobuf.at[pl.ds(0, hrows)],
                          lo_rows_hbm.at[pl.ds(base, hrows)], sem_w)
    g1.wait()
    w1 = pltpu.async_copy(lobuf.at[pl.ds(hrows, hrows)],
                          lo_rows_hbm.at[pl.ds(base + hrows, hrows)],
                          sem_w)
    w0.wait()
    w1.wait()


_stage2 = functools.partial(
    pl.kernel,
    out_type=jax.ShapeDtypeStruct((BATCH, N_CLASSES), jnp.float32),
    mesh=plsc.VectorSubcoreMesh(core_axis_name="c", subcore_axis_name="s"),
    compiler_params=pltpu.CompilerParams(needs_layout_passes=False,
                                         use_tc_tiling_on_sc=True),
    scratch_types=(
        pltpu.VMEM((N_EXAMPLES,), jnp.int32),
        pltpu.VMEM((BATCH,), jnp.int32),
        pltpu.VMEM((ROWS_PER_TILE,), jnp.int32),
        pltpu.VMEM((ROWS_PER_TILE, N_CLASSES), jnp.float32),
        pltpu.SemaphoreType.DMA,
        pltpu.SemaphoreType.DMA,
        pltpu.SemaphoreType.DMA,
    ),
)(_sc_body)


def _stage3_body(pred_ref, lo_rows_ref, ce_ref, out_ref):
    pred = pred_ref[...]
    x = lo_rows_ref[...]
    e = jnp.exp(x)
    pw = jnp.clip(e * (1.0 / jnp.sum(e, axis=1, keepdims=True)),
                  0.0001, 1.0 - 0.0001)
    s = ((1.0 - BETA) * jnp.sum(pw * pred, axis=1)
         * (1.0 / jnp.sum(pw, axis=1)))
    term = jnp.log(1.0 - s)

    @pl.when(pl.program_id(0) == 0)
    def _():
        out_ref[...] = ce_ref[...]

    out_ref[...] += LAM * jnp.reshape(jnp.sum(term) / BATCH, (1, 1))


_stage3 = pl.pallas_call(
    _stage3_body,
    grid=(GRID,),
    in_specs=[
        pl.BlockSpec((GB, N_CLASSES), lambda i: (i, 0)),
        pl.BlockSpec((GB, N_CLASSES), lambda i: (i, 0)),
        pl.BlockSpec((1, 1), lambda i: (0, 0)),
    ],
    out_specs=pl.BlockSpec((1, 1), lambda i: (0, 0)),
    out_shape=jax.ShapeDtypeStruct((1, 1), jnp.float32),
)


def kernel(indices, output, label, stored_targets):
    del stored_targets
    label2 = label.reshape(BATCH, 1).astype(jnp.int32)
    lo_rows = _stage2(indices, output)
    pred, ce = _stage1(output, label2)
    loss = _stage3(pred, lo_rows, ce)
    return loss.reshape(())

# --- scband reference (transcript-rebuilt; emitter-appended) ---
"""Pipeline reference for scband-elr-loss-89687507076305 (READ-ONLY COPY).

The authoritative reference and input builder live on the scoring server;
editing this copy changes nothing except your own understanding.
"""

import jax, jax.numpy as jnp
import numpy as np

N_EXAMPLES = 100000
N_CLASSES = 128
BATCH = 4096
BETA = 0.3
LAM = 3.0


def setup_inputs(seed: int = 0) -> dict:
    key = jax.random.key(seed)
    k1, k2, k3 = jax.random.split(key, 3)
    indices = jax.random.randint(k1, (BATCH,), 0, N_EXAMPLES, dtype=jnp.int32)
    output = jax.random.normal(k2, (BATCH, N_CLASSES), dtype=jnp.float32)
    label = jax.random.randint(k3, (BATCH,), 0, N_CLASSES, dtype=jnp.int32)
    stored_targets = jnp.zeros((N_EXAMPLES, N_CLASSES), dtype=jnp.float32)
    return {"indices": indices, "output": output, "label": label, "stored_targets": stored_targets}


def reference(indices, output, label, stored_targets):
    # pred = softmax(output) over class dim, clamped
    pred = jax.nn.softmax(output, axis=1)
    pred = jnp.clip(pred, 0.0001, 1.0 - 0.0001)
    # cross entropy (mean reduction)
    logp = jax.nn.log_softmax(output, axis=1)
    ce_loss = -jnp.mean(jnp.take_along_axis(logp, label[:, None].astype(jnp.int32), axis=1))
    # detached, renormalized predictions
    pred_detached = jax.lax.stop_gradient(pred)
    pred_norm = pred_detached / jnp.sum(pred_detached, axis=1, keepdims=True)
    # gather old rows, EMA update, scatter-overwrite
    old_rows = stored_targets[indices]  # gather
    new_rows = BETA * old_rows + (1.0 - BETA) * pred_norm
    new_stored = stored_targets.at[indices].set(new_rows)  # scatter-overwrite
    # ELR regularization term reads back the updated rows
    gathered = new_stored[indices]
    elr_regularization_term = jnp.mean(jnp.log(1.0 - jnp.sum(gathered * pred, axis=1)))
    loss_tot = ce_loss + LAM * elr_regularization_term
    return loss_tot

if __name__ == "__main__":
    import jax
    _d = setup_inputs()
    print(jax.jit(kernel)(*tuple(_d.values())))

</pallas_src>

<mosaic_0001>
#map = affine_map<(d0, d1) -> (0)>
#map1 = affine_map<(d0, d1) -> (0, 0)>
module attributes {stable_mosaic.version = 14 : i64} {
  func.func @_sc_body(%arg0: i32, %arg1: i32, %arg2: memref<4096xi32, #tpu.memory_space<hbm>>, %arg3: memref<4096x128xf32, #tpu.memory_space<hbm>>, %arg4: memref<4096x128xf32, #tpu.memory_space<hbm>>, %arg5: memref<100000xi32, #tpu.memory_space<vmem>>, %arg6: memref<4096xi32, #tpu.memory_space<vmem>>, %arg7: memref<128xi32, #tpu.memory_space<vmem>>, %arg8: memref<128x128xf32, #tpu.memory_space<vmem>>, %arg9: memref<!tpu.dma_semaphore, #tpu.memory_space<semaphore_mem>>, %arg10: memref<!tpu.dma_semaphore, #tpu.memory_space<semaphore_mem>>, %arg11: memref<!tpu.dma_semaphore, #tpu.memory_space<semaphore_mem>>) attributes {dimension_semantics = [#tpu.dimension_semantics<core_parallel>, #tpu.dimension_semantics<subcore_parallel>], iteration_bounds = array<i64: 2, 16>, scalar_prefetch = 0 : i64, scratch_operands = 7 : i64, tpu.core_type = #tpu.core_type<sc_vector_subcore>, window_params = [{transform_indices = #map}, {transform_indices = #map1}, {transform_indices = #map1}]} {
    %mul3A = arith.constant 2 : i32
    %mul3A_0 = arith.muli %arg1, %mul3A : i32
    %add3A = arith.addi %mul3A_0, %arg0 : i32
    %mul3A_1 = arith.constant 128 : i32
    %mul3A_2 = arith.muli %add3A, %mul3A_1 : i32
    "tpu.region"() ({
      %run_scoped3A = tpu.sem_alloc : memref<!tpu.dma_semaphore, #tpu.memory_space<semaphore_mem>>
      %dma_start3A_155 = arith.constant 0 : i32
      %dma_start3A_156 = tpu.memref_slice %arg6[%dma_start3A_155] : memref<4096xi32, #tpu.memory_space<vmem>> -> memref<2048xi32, #tpu.memory_space<vmem>>
      %dma_start3A_157 = arith.constant 0 : i32
      %dma_start3A_158 = tpu.memref_slice %arg2[%dma_start3A_157] : memref<4096xi32, #tpu.memory_space<hbm>> -> memref<2048xi32, #tpu.memory_space<hbm>>
      %dma_start3A_159 = arith.constant 0 : i32
      %dma_start3A_160 = tpu.memref_slice %arg6[%dma_start3A_159] : memref<4096xi32, #tpu.memory_space<vmem>> -> memref<2048xi32, #tpu.memory_space<vmem>>
      %dma_start3A_161 = arith.constant 0 : i32
      %dma_start3A_162 = tpu.memref_slice %arg2[%dma_start3A_161] : memref<4096xi32, #tpu.memory_space<hbm>> -> memref<2048xi32, #tpu.memory_space<hbm>>
      tpu.enqueue_dma source(%dma_start3A_162 : memref<2048xi32, #tpu.memory_space<hbm>>) target(%dma_start3A_160 : memref<2048xi32, #tpu.memory_space<vmem>>) target_semaphore(%run_scoped3A : memref<!tpu.dma_semaphore, #tpu.memory_space<semaphore_mem>>)
      %dma_wait3A_163 = arith.constant 0 : i32
      %dma_wait3A_164 = tpu.memref_slice %arg6[%dma_wait3A_163] : memref<4096xi32, #tpu.memory_space<vmem>> -> memref<2048xi32, #tpu.memory_space<vmem>>
      %dma_wait3A_165 = arith.constant 0 : i32
      %dma_wait3A_166 = tpu.memref_slice %arg2[%dma_wait3A_165] : memref<4096xi32, #tpu.memory_space<hbm>> -> memref<2048xi32, #tpu.memory_space<hbm>>
      %dma_wait3A_167 = arith.constant 0 : i32
      %dma_wait3A_168 = tpu.memref_slice %arg6[%dma_wait3A_167] : memref<4096xi32, #tpu.memory_space<vmem>> -> memref<2048xi32, #tpu.memory_space<vmem>>
      %dma_wait3A_169 = arith.constant 0 : i32
      %dma_wait3A_170 = tpu.memref_slice %arg2[%dma_wait3A_169] : memref<4096xi32, #tpu.memory_space<hbm>> -> memref<2048xi32, #tpu.memory_space<hbm>>
      tpu.wait_dma2 semaphore(%run_scoped3A : memref<!tpu.dma_semaphore, #tpu.memory_space<semaphore_mem>>) src(%dma_wait3A_170 : memref<2048xi32, #tpu.memory_space<hbm>>) dst(%dma_wait3A_168 : memref<2048xi32, #tpu.memory_space<vmem>>)
      tpu.yield
    }) : () -> ()
    %dma_start3A = arith.constant 2048 : i32
    %dma_start3A_3 = tpu.memref_slice %arg6[%dma_start3A] : memref<4096xi32, #tpu.memory_space<vmem>> -> memref<2048xi32, #tpu.memory_space<vmem>>
    %dma_start3A_4 = arith.constant 2048 : i32
    %dma_start3A_5 = tpu.memref_slice %arg2[%dma_start3A_4] : memref<4096xi32, #tpu.memory_space<hbm>> -> memref<2048xi32, #tpu.memory_space<hbm>>
    %dma_start3A_6 = arith.constant 2048 : i32
    %dma_start3A_7 = tpu.memref_slice %arg6[%dma_start3A_6] : memref<4096xi32, #tpu.memory_space<vmem>> -> memref<2048xi32, #tpu.memory_space<vmem>>
    %dma_start3A_8 = arith.constant 2048 : i32
    %dma_start3A_9 = tpu.memref_slice %arg2[%dma_start3A_8] : memref<4096xi32, #tpu.memory_space<hbm>> -> memref<2048xi32, #tpu.memory_space<hbm>>
    tpu.enqueue_dma source(%dma_start3A_9 : memref<2048xi32, #tpu.memory_space<hbm>>) target(%dma_start3A_7 : memref<2048xi32, #tpu.memory_space<vmem>>) target_semaphore(%arg11 : memref<!tpu.dma_semaphore, #tpu.memory_space<semaphore_mem>>)
    %iota3A = tpu.iota {dimensions = array<i32: 0>} : vector<16xi32>
    %scan3A = arith.constant 0 : i32
    %scan3A_10 = arith.constant 32 : i32
    %scan3A_11 = arith.addi %scan3A, %scan3A_10 : i32
    %scan3A_12 = arith.constant 1 : i32
    %scan3A_13 = scf.for %scan3A_155 = %scan3A to %scan3A_11 step %scan3A_12 iter_args(%scan3A_156 = %iota3A) -> (vector<16xi32>)  : i32 {
      %mul3A_157 = arith.constant 4 : i32
      %mul3A_158 = arith.muli %scan3A_155, %mul3A_157 : i32
      %add3A_159 = arith.constant 0 : i32
      %add3A_160 = arith.addi %mul3A_158, %add3A_159 : i32
      %mul3A_161 = arith.constant 16 : i32
      %mul3A_162 = arith.muli %add3A_160, %mul3A_161 : i32
      %multiple_of3A = tpu.assume_multiple %mul3A_162, 16 : i32
      %get3A_163 = arith.index_cast %multiple_of3A : i32 to index
      %get3A_164 = tpu.vector_load %arg6[%get3A_163] {strides = array<i32>} : memref<4096xi32, #tpu.memory_space<vmem>>, vector<16xi32>,
      %mul3A_165 = arith.constant 4 : i32
      %mul3A_166 = arith.muli %scan3A_155, %mul3A_165 : i32
      %add3A_167 = arith.constant 1 : i32
      %add3A_168 = arith.addi %mul3A_166, %add3A_167 : i32
      %mul3A_169 = arith.constant 16 : i32
      %mul3A_170 = arith.muli %add3A_168, %mul3A_169 : i32
      %multiple_of3A_171 = tpu.assume_multiple %mul3A_170, 16 : i32
      %get3A_172 = arith.index_cast %multiple_of3A_171 : i32 to index
      %get3A_173 = tpu.vector_load %arg6[%get3A_172] {strides = array<i32>} : memref<4096xi32, #tpu.memory_space<vmem>>, vector<16xi32>,
      %mul3A_174 = arith.constant 4 : i32
      %mul3A_175 = arith.muli %scan3A_155, %mul3A_174 : i32
      %add3A_176 = arith.constant 2 : i32
      %add3A_177 = arith.addi %mul3A_175, %add3A_176 : i32
      %mul3A_178 = arith.constant 16 : i32
      %mul3A_179 = arith.muli %add3A_177, %mul3A_178 : i32
      %multiple_of3A_180 = tpu.assume_multiple %mul3A_179, 16 : i32
      %get3A_181 = arith.index_cast %multiple_of3A_180 : i32 to index
      %get3A_182 = tpu.vector_load %arg6[%get3A_181] {strides = array<i32>} : memref<4096xi32, #tpu.memory_space<vmem>>, vector<16xi32>,
      %mul3A_183 = arith.constant 4 : i32
      %mul3A_184 = arith.muli %scan3A_155, %mul3A_183 : i32
      %add3A_185 = arith.constant 3 : i32
      %add3A_186 = arith.addi %mul3A_184, %add3A_185 : i32
      %mul3A_187 = arith.constant 16 : i32
      %mul3A_188 = arith.muli %add3A_186, %mul3A_187 : i32
      %multiple_of3A_189 = tpu.assume_multiple %mul3A_188, 16 : i32
      %get3A_190 = arith.index_cast %multiple_of3A_189 : i32 to index
      %get3A_191 = tpu.vector_load %arg6[%get3A_190] {strides = array<i32>} : memref<4096xi32, #tpu.memory_space<vmem>>, vector<16xi32>,
      %broadcast_in_dim3A = arith.constant true
      %broadcast_in_dim3A_192 = vector.broadcast %broadcast_in_dim3A : i1 to vector<16xi1>
      %unique3A, %unique3A_193 = tpu.scan_count mask(%broadcast_in_dim3A_192 : vector<16xi1>) value(%get3A_164 : vector<16xi32>) : vector<16xi1>, vector<16xi32>
      %broadcast_in_dim3A_194 = arith.constant true
      %broadcast_in_dim3A_195 = vector.broadcast %broadcast_in_dim3A_194 : i1 to vector<16xi1>
      %unique3A_196, %unique3A_197 = tpu.scan_count mask(%broadcast_in_dim3A_195 : vector<16xi1>) value(%get3A_173 : vector<16xi32>) : vector<16xi1>, vector<16xi32>
      %broadcast_in_dim3A_198 = arith.constant true
      %broadcast_in_dim3A_199 = vector.broadcast %broadcast_in_dim3A_198 : i1 to vector<16xi1>
      %unique3A_200, %unique3A_201 = tpu.scan_count mask(%broadcast_in_dim3A_199 : vector<16xi1>) value(%get3A_182 : vector<16xi32>) : vector<16xi1>, vector<16xi32>
      %broadcast_in_dim3A_202 = arith.constant true
      %broadcast_in_dim3A_203 = vector.broadcast %broadcast_in_dim3A_202 : i1 to vector<16xi1>
      %unique3A_204, %unique3A_205 = tpu.scan_count mask(%broadcast_in_dim3A_203 : vector<16xi1>) value(%get3A_191 : vector<16xi32>) : vector<16xi1>, vector<16xi32>
      %add3A_206 = arith.constant 0 : i32
      %add3A_207 = vector.broadcast %add3A_206 : i32 to vector<16xi32>
      %add3A_208 = arith.addi %scan3A_156, %add3A_207 : vector<16xi32>
      tpu.vector_store_idx %arg5[%get3A_164], %add3A_208 masked %unique3A : memref<100000xi32, #tpu.memory_space<vmem>>[vector<16xi32>], vector<16xi32>, vector<16xi1>
      %add3A_209 = arith.constant 16 : i32
      %add3A_210 = vector.broadcast %add3A_209 : i32 to vector<16xi32>
      %add3A_211 = arith.addi %scan3A_156, %add3A_210 : vector<16xi32>
      tpu.vector_store_idx %arg5[%get3A_173], %add3A_211 masked %unique3A_196 : memref<100000xi32, #tpu.memory_space<vmem>>[vector<16xi32>], vector<16xi32>, vector<16xi1>
      %add3A_212 = arith.constant 32 : i32
      %add3A_213 = vector.broadcast %add3A_212 : i32 to vector<16xi32>
      %add3A_214 = arith.addi %scan3A_156, %add3A_213 : vector<16xi32>
      tpu.vector_store_idx %arg5[%get3A_182], %add3A_214 masked %unique3A_200 : memref<100000xi32, #tpu.memory_space<vmem>>[vector<16xi32>], vector<16xi32>, vector<16xi1>
      %add3A_215 = arith.constant 48 : i32
      %add3A_216 = vector.broadcast %add3A_215 : i32 to vector<16xi32>
      %add3A_217 = arith.addi %scan3A_156, %add3A_216 : vector<16xi32>
      tpu.vector_store_idx %arg5[%get3A_191], %add3A_217 masked %unique3A_204 : memref<100000xi32, #tpu.memory_space<vmem>>[vector<16xi32>], vector<16xi32>, vector<16xi1>
      %add3A_218 = arith.constant 64 : i32
      %add3A_219 = vector.broadcast %add3A_218 : i32 to vector<16xi32>
      %add3A_220 = arith.addi %scan3A_156, %add3A_219 : vector<16xi32>
      scf.yield %add3A_220 : vector<16xi32>
    }
    %scan3A_14 = arith.constant 32 : i32
    %dma_wait3A = arith.constant 2048 : i32
    %dma_wait3A_15 = tpu.memref_slice %arg6[%dma_wait3A] : memref<4096xi32, #tpu.memory_space<vmem>> -> memref<2048xi32, #tpu.memory_space<vmem>>
    %dma_wait3A_16 = arith.constant 2048 : i32
    %dma_wait3A_17 = tpu.memref_slice %arg2[%dma_wait3A_16] : memref<4096xi32, #tpu.memory_space<hbm>> -> memref<2048xi32, #tpu.memory_space<hbm>>
    %dma_wait3A_18 = arith.constant 2048 : i32
    %dma_wait3A_19 = tpu.memref_slice %arg6[%dma_wait3A_18] : memref<4096xi32, #tpu.memory_space<vmem>> -> memref<2048xi32, #tpu.memory_space<vmem>>
    %dma_wait3A_20 = arith.constant 2048 : i32
    %dma_wait3A_21 = tpu.memref_slice %arg2[%dma_wait3A_20] : memref<4096xi32, #tpu.memory_space<hbm>> -> memref<2048xi32, #tpu.memory_space<hbm>>
    tpu.wait_dma2 semaphore(%arg11 : memref<!tpu.dma_semaphore, #tpu.memory_space<semaphore_mem>>) src(%dma_wait3A_21 : memref<2048xi32, #tpu.memory_space<hbm>>) dst(%dma_wait3A_19 : memref<2048xi32, #tpu.memory_space<vmem>>)
    %scan3A_22 = arith.constant 32 : i32
    %scan3A_23 = arith.constant 32 : i32
    %scan3A_24 = arith.addi %scan3A_22, %scan3A_23 : i32
    %scan3A_25 = arith.constant 1 : i32
    %scan3A_26 = scf.for %scan3A_155 = %scan3A_22 to %scan3A_24 step %scan3A_25 iter_args(%scan3A_156 = %scan3A_13) -> (vector<16xi32>)  : i32 {
      %mul3A_157 = arith.constant 4 : i32
      %mul3A_158 = arith.muli %scan3A_155, %mul3A_157 : i32
      %add3A_159 = arith.constant 0 : i32
      %add3A_160 = arith.addi %mul3A_158, %add3A_159 : i32
      %mul3A_161 = arith.constant 16 : i32
      %mul3A_162 = arith.muli %add3A_160, %mul3A_161 : i32
      %multiple_of3A = tpu.assume_multiple %mul3A_162, 16 : i32
      %get3A_163 = arith.index_cast %multiple_of3A : i32 to index
      %get3A_164 = tpu.vector_load %arg6[%get3A_163] {strides = array<i32>} : memref<4096xi32, #tpu.memory_space<vmem>>, vector<16xi32>,
      %mul3A_165 = arith.constant 4 : i32
      %mul3A_166 = arith.muli %scan3A_155, %mul3A_165 : i32
      %add3A_167 = arith.constant 1 : i32
      %add3A_168 = arith.addi %mul3A_166, %add3A_167 : i32
      %mul3A_169 = arith.constant 16 : i32
      %mul3A_170 = arith.muli %add3A_168, %mul3A_169 : i32
      %multiple_of3A_171 = tpu.assume_multiple %mul3A_170, 16 : i32
      %get3A_172 = arith.index_cast %multiple_of3A_171 : i32 to index
      %get3A_173 = tpu.vector_load %arg6[%get3A_172] {strides = array<i32>} : memref<4096xi32, #tpu.memory_space<vmem>>, vector<16xi32>,
      %mul3A_174 = arith.constant 4 : i32
      %mul3A_175 = arith.muli %scan3A_155, %mul3A_174 : i32
      %add3A_176 = arith.constant 2 : i32
      %add3A_177 = arith.addi %mul3A_175, %add3A_176 : i32
      %mul3A_178 = arith.constant 16 : i32
      %mul3A_179 = arith.muli %add3A_177, %mul3A_178 : i32
      %multiple_of3A_180 = tpu.assume_multiple %mul3A_179, 16 : i32
      %get3A_181 = arith.index_cast %multiple_of3A_180 : i32 to index
      %get3A_182 = tpu.vector_load %arg6[%get3A_181] {strides = array<i32>} : memref<4096xi32, #tpu.memory_space<vmem>>, vector<16xi32>,
      %mul3A_183 = arith.constant 4 : i32
      %mul3A_184 = arith.muli %scan3A_155, %mul3A_183 : i32
      %add3A_185 = arith.constant 3 : i32
      %add3A_186 = arith.addi %mul3A_184, %add3A_185 : i32
      %mul3A_187 = arith.constant 16 : i32
      %mul3A_188 = arith.muli %add3A_186, %mul3A_187 : i32
      %multiple_of3A_189 = tpu.assume_multiple %mul3A_188, 16 : i32
      %get3A_190 = arith.index_cast %multiple_of3A_189 : i32 to index
      %get3A_191 = tpu.vector_load %arg6[%get3A_190] {strides = array<i32>} : memref<4096xi32, #tpu.memory_space<vmem>>, vector<16xi32>,
      %broadcast_in_dim3A = arith.constant true
      %broadcast_in_dim3A_192 = vector.broadcast %broadcast_in_dim3A : i1 to vector<16xi1>
      %unique3A, %unique3A_193 = tpu.scan_count mask(%broadcast_in_dim3A_192 : vector<16xi1>) value(%get3A_164 : vector<16xi32>) : vector<16xi1>, vector<16xi32>
      %broadcast_in_dim3A_194 = arith.constant true
      %broadcast_in_dim3A_195 = vector.broadcast %broadcast_in_dim3A_194 : i1 to vector<16xi1>
      %unique3A_196, %unique3A_197 = tpu.scan_count mask(%broadcast_in_dim3A_195 : vector<16xi1>) value(%get3A_173 : vector<16xi32>) : vector<16xi1>, vector<16xi32>
      %broadcast_in_dim3A_198 = arith.constant true
      %broadcast_in_dim3A_199 = vector.broadcast %broadcast_in_dim3A_198 : i1 to vector<16xi1>
      %unique3A_200, %unique3A_201 = tpu.scan_count mask(%broadcast_in_dim3A_199 : vector<16xi1>) value(%get3A_182 : vector<16xi32>) : vector<16xi1>, vector<16xi32>
      %broadcast_in_dim3A_202 = arith.constant true
      %broadcast_in_dim3A_203 = vector.broadcast %broadcast_in_dim3A_202 : i1 to vector<16xi1>
      %unique3A_204, %unique3A_205 = tpu.scan_count mask(%broadcast_in_dim3A_203 : vector<16xi1>) value(%get3A_191 : vector<16xi32>) : vector<16xi1>, vector<16xi32>
      %add3A_206 = arith.constant 0 : i32
      %add3A_207 = vector.broadcast %add3A_206 : i32 to vector<16xi32>
      %add3A_208 = arith.addi %scan3A_156, %add3A_207 : vector<16xi32>
      tpu.vector_store_idx %arg5[%get3A_164], %add3A_208 masked %unique3A : memref<100000xi32, #tpu.memory_space<vmem>>[vector<16xi32>], vector<16xi32>, vector<16xi1>
      %add3A_209 = arith.constant 16 : i32
      %add3A_210 = vector.broadcast %add3A_209 : i32 to vector<16xi32>
      %add3A_211 = arith.addi %scan3A_156, %add3A_210 : vector<16xi32>
      tpu.vector_store_idx %arg5[%get3A_173], %add3A_211 masked %unique3A_196 : memref<100000xi32, #tpu.memory_space<vmem>>[vector<16xi32>], vector<16xi32>, vector<16xi1>
      %add3A_212 = arith.constant 32 : i32
      %add3A_213 = vector.broadcast %add3A_212 : i32 to vector<16xi32>
      %add3A_214 = arith.addi %scan3A_156, %add3A_213 : vector<16xi32>
      tpu.vector_store_idx %arg5[%get3A_182], %add3A_214 masked %unique3A_200 : memref<100000xi32, #tpu.memory_space<vmem>>[vector<16xi32>], vector<16xi32>, vector<16xi1>
      %add3A_215 = arith.constant 48 : i32
      %add3A_216 = vector.broadcast %add3A_215 : i32 to vector<16xi32>
      %add3A_217 = arith.addi %scan3A_156, %add3A_216 : vector<16xi32>
      tpu.vector_store_idx %arg5[%get3A_191], %add3A_217 masked %unique3A_204 : memref<100000xi32, #tpu.memory_space<vmem>>[vector<16xi32>], vector<16xi32>, vector<16xi1>
      %add3A_218 = arith.constant 64 : i32
      %add3A_219 = vector.broadcast %add3A_218 : i32 to vector<16xi32>
      %add3A_220 = arith.addi %scan3A_156, %add3A_219 : vector<16xi32>
      scf.yield %add3A_220 : vector<16xi32>
    }
    %scan3A_27 = arith.constant 32 : i32
    %add3A_28 = arith.constant 0 : i32
    %add3A_29 = arith.addi %mul3A_2, %add3A_28 : i32
    %get3A = arith.index_cast %add3A_29 : i32 to index
    %get3A_30 = tpu.vector_load %arg6[%get3A] {strides = array<i32>} : memref<4096xi32, #tpu.memory_space<vmem>>, vector<16xi32>,
    %gather3A = tpu.vector_load_idx %arg5[%get3A_30] : memref<100000xi32, #tpu.memory_space<vmem>>[vector<16xi32>], vector<16xi32>,
    %swap3A = arith.constant 0 : index
    %swap3A_31 = tpu.vector_load %arg7[%swap3A] {strides = array<i32>} : memref<128xi32, #tpu.memory_space<vmem>>, vector<16xi32>,
    tpu.vector_store %arg7[%swap3A], %gather3A {strides = array<i32>} : memref<128xi32, #tpu.memory_space<vmem>>, vector<16xi32>,
    %add3A_32 = arith.constant 16 : i32
    %add3A_33 = arith.addi %mul3A_2, %add3A_32 : i32
    %get3A_34 = arith.index_cast %add3A_33 : i32 to index
    %get3A_35 = tpu.vector_load %arg6[%get3A_34] {strides = array<i32>} : memref<4096xi32, #tpu.memory_space<vmem>>, vector<16xi32>,
    %gather3A_36 = tpu.vector_load_idx %arg5[%get3A_35] : memref<100000xi32, #tpu.memory_space<vmem>>[vector<16xi32>], vector<16xi32>,
    %swap3A_37 = arith.constant 16 : index
    %swap3A_38 = tpu.vector_load %arg7[%swap3A_37] {strides = array<i32>} : memref<128xi32, #tpu.memory_space<vmem>>, vector<16xi32>,
    tpu.vector_store %arg7[%swap3A_37], %gather3A_36 {strides = array<i32>} : memref<128xi32, #tpu.memory_space<vmem>>, vector<16xi32>,
    %add3A_39 = arith.constant 32 : i32
    %add3A_40 = arith.addi %mul3A_2, %add3A_39 : i32
    %get3A_41 = arith.index_cast %add3A_40 : i32 to index
    %get3A_42 = tpu.vector_load %arg6[%get3A_41] {strides = array<i32>} : memref<4096xi32, #tpu.memory_space<vmem>>, vector<16xi32>,
    %gather3A_43 = tpu.vector_load_idx %arg5[%get3A_42] : memref<100000xi32, #tpu.memory_space<vmem>>[vector<16xi32>], vector<16xi32>,
    %swap3A_44 = arith.constant 32 : index
    %swap3A_45 = tpu.vector_load %arg7[%swap3A_44] {strides = array<i32>} : memref<128xi32, #tpu.memory_space<vmem>>, vector<16xi32>,
    tpu.vector_store %arg7[%swap3A_44], %gather3A_43 {strides = array<i32>} : memref<128xi32, #tpu.memory_space<vmem>>, vector<16xi32>,
    %add3A_46 = arith.constant 48 : i32
    %add3A_47 = arith.addi %mul3A_2, %add3A_46 : i32
    %get3A_48 = arith.index_cast %add3A_47 : i32 to index
    %get3A_49 = tpu.vector_load %arg6[%get3A_48] {strides = array<i32>} : memref<4096xi32, #tpu.memory_space<vmem>>, vector<16xi32>,
    %gather3A_50 = tpu.vector_load_idx %arg5[%get3A_49] : memref<100000xi32, #tpu.memory_space<vmem>>[vector<16xi32>], vector<16xi32>,
    %swap3A_51 = arith.constant 48 : index
    %swap3A_52 = tpu.vector_load %arg7[%swap3A_51] {strides = array<i32>} : memref<128xi32, #tpu.memory_space<vmem>>, vector<16xi32>,
    tpu.vector_store %arg7[%swap3A_51], %gather3A_50 {strides = array<i32>} : memref<128xi32, #tpu.memory_space<vmem>>, vector<16xi32>,
    %add3A_53 = arith.constant 64 : i32
    %add3A_54 = arith.addi %mul3A_2, %add3A_53 : i32
    %get3A_55 = arith.index_cast %add3A_54 : i32 to index
    %get3A_56 = tpu.vector_load %arg6[%get3A_55] {strides = array<i32>} : memref<4096xi32, #tpu.memory_space<vmem>>, vector<16xi32>,
    %gather3A_57 = tpu.vector_load_idx %arg5[%get3A_56] : memref<100000xi32, #tpu.memory_space<vmem>>[vector<16xi32>], vector<16xi32>,
    %swap3A_58 = arith.constant 64 : index
    %swap3A_59 = tpu.vector_load %arg7[%swap3A_58] {strides = array<i32>} : memref<128xi32, #tpu.memory_space<vmem>>, vector<16xi32>,
    tpu.vector_store %arg7[%swap3A_58], %gather3A_57 {strides = array<i32>} : memref<128xi32, #tpu.memory_space<vmem>>, vector<16xi32>,
    %add3A_60 = arith.constant 80 : i32
    %add3A_61 = arith.addi %mul3A_2, %add3A_60 : i32
    %get3A_62 = arith.index_cast %add3A_61 : i32 to index
    %get3A_63 = tpu.vector_load %arg6[%get3A_62] {strides = array<i32>} : memref<4096xi32, #tpu.memory_space<vmem>>, vector<16xi32>,
    %gather3A_64 = tpu.vector_load_idx %arg5[%get3A_63] : memref<100000xi32, #tpu.memory_space<vmem>>[vector<16xi32>], vector<16xi32>,
    %swap3A_65 = arith.constant 80 : index
    %swap3A_66 = tpu.vector_load %arg7[%swap3A_65] {strides = array<i32>} : memref<128xi32, #tpu.memory_space<vmem>>, vector<16xi32>,
    tpu.vector_store %arg7[%swap3A_65], %gather3A_64 {strides = array<i32>} : memref<128xi32, #tpu.memory_space<vmem>>, vector<16xi32>,
    %add3A_67 = arith.constant 96 : i32
    %add3A_68 = arith.addi %mul3A_2, %add3A_67 : i32
    %get3A_69 = arith.index_cast %add3A_68 : i32 to index
    %get3A_70 = tpu.vector_load %arg6[%get3A_69] {strides = array<i32>} : memref<4096xi32, #tpu.memory_space<vmem>>, vector<16xi32>,
    %gather3A_71 = tpu.vector_load_idx %arg5[%get3A_70] : memref<100000xi32, #tpu.memory_space<vmem>>[vector<16xi32>], vector<16xi32>,
    %swap3A_72 = arith.constant 96 : index
    %swap3A_73 = tpu.vector_load %arg7[%swap3A_72] {strides = array<i32>} : memref<128xi32, #tpu.memory_space<vmem>>, vector<16xi32>,
    tpu.vector_store %arg7[%swap3A_72], %gather3A_71 {strides = array<i32>} : memref<128xi32, #tpu.memory_space<vmem>>, vector<16xi32>,
    %add3A_74 = arith.constant 112 : i32
    %add3A_75 = arith.addi %mul3A_2, %add3A_74 : i32
    %get3A_76 = arith.index_cast %add3A_75 : i32 to index
    %get3A_77 = tpu.vector_load %arg6[%get3A_76] {strides = array<i32>} : memref<4096xi32, #tpu.memory_space<vmem>>, vector<16xi32>,
    %gather3A_78 = tpu.vector_load_idx %arg5[%get3A_77] : memref<100000xi32, #tpu.memory_space<vmem>>[vector<16xi32>], vector<16xi32>,
    %swap3A_79 = arith.constant 112 : index
    %swap3A_80 = tpu.vector_load %arg7[%swap3A_79] {strides = array<i32>} : memref<128xi32, #tpu.memory_space<vmem>>, vector<16xi32>,
    tpu.vector_store %arg7[%swap3A_79], %gather3A_78 {strides = array<i32>} : memref<128xi32, #tpu.memory_space<vmem>>, vector<16xi32>,
    %dma_start3A_81 = arith.constant 0 : i32
    %dma_start3A_82 = arith.constant 0 : i32
    %dma_start3A_83 = tpu.memref_slice %arg8[%dma_start3A_81, %dma_start3A_82] : memref<128x128xf32, #tpu.memory_space<vmem>> -> memref<64x128xf32, #tpu.memory_space<vmem>>
    %dma_start3A_84 = arith.constant 0 : i32
    %dma_start3A_85 = tpu.memref_slice %arg7[%dma_start3A_84] : memref<128xi32, #tpu.memory_space<vmem>> -> memref<64xi32, #tpu.memory_space<vmem>>
    %dma_start3A_86 = arith.constant 0 : i32
    %dma_start3A_87 = arith.constant 0 : i32
    %dma_start3A_88 = tpu.memref_slice %arg3[%dma_start3A_86, %dma_start3A_87] : memref<4096x128xf32, #tpu.memory_space<hbm>> -> memref<4096x128xf32, #tpu.memory_space<hbm>>
    tpu.enqueue_indirect_dma source(%dma_start3A_88 : memref<4096x128xf32, #tpu.memory_space<hbm>>) target(%dma_start3A_83 : memref<64x128xf32, #tpu.memory_space<vmem>>) offsets(%dma_start3A_85 : memref<64xi32, #tpu.memory_space<vmem>>) semaphore(%arg9 : memref<!tpu.dma_semaphore, #tpu.memory_space<semaphore_mem>>)
    %dma_start3A_89 = arith.constant 64 : i32
    %dma_start3A_90 = arith.constant 0 : i32
    %dma_start3A_91 = tpu.memref_slice %arg8[%dma_start3A_89, %dma_start3A_90] : memref<128x128xf32, #tpu.memory_space<vmem>> -> memref<64x128xf32, #tpu.memory_space<vmem>>
    %dma_start3A_92 = arith.constant 64 : i32
    %dma_start3A_93 = tpu.memref_slice %arg7[%dma_start3A_92] : memref<128xi32, #tpu.memory_space<vmem>> -> memref<64xi32, #tpu.memory_space<vmem>>
    %dma_start3A_94 = arith.constant 0 : i32
    %dma_start3A_95 = arith.constant 0 : i32
    %dma_start3A_96 = tpu.memref_slice %arg3[%dma_start3A_94, %dma_start3A_95] : memref<4096x128xf32, #tpu.memory_space<hbm>> -> memref<4096x128xf32, #tpu.memory_space<hbm>>
    tpu.enqueue_indirect_dma source(%dma_start3A_96 : memref<4096x128xf32, #tpu.memory_space<hbm>>) target(%dma_start3A_91 : memref<64x128xf32, #tpu.memory_space<vmem>>) offsets(%dma_start3A_93 : memref<64xi32, #tpu.memory_space<vmem>>) semaphore(%arg11 : memref<!tpu.dma_semaphore, #tpu.memory_space<semaphore_mem>>)
    %dma_wait3A_97 = arith.constant 0 : i32
    %dma_wait3A_98 = arith.constant 0 : i32
    %dma_wait3A_99 = tpu.memref_slice %arg8[%dma_wait3A_97, %dma_wait3A_98] : memref<128x128xf32, #tpu.memory_space<vmem>> -> memref<64x128xf32, #tpu.memory_space<vmem>>
    %dma_wait3A_100 = arith.constant 0 : i32
    %dma_wait3A_101 = tpu.memref_slice %arg7[%dma_wait3A_100] : memref<128xi32, #tpu.memory_space<vmem>> -> memref<64xi32, #tpu.memory_space<vmem>>
    %dma_wait3A_102 = arith.constant 0 : i32
    %dma_wait3A_103 = arith.constant 0 : i32
    %dma_wait3A_104 = tpu.memref_slice %arg3[%dma_wait3A_102, %dma_wait3A_103] : memref<4096x128xf32, #tpu.memory_space<hbm>> -> memref<4096x128xf32, #tpu.memory_space<hbm>>
    tpu.wait_indirect_dma semaphore(%arg9 : memref<!tpu.dma_semaphore, #tpu.memory_space<semaphore_mem>>) src(%dma_wait3A_104 : memref<4096x128xf32, #tpu.memory_space<hbm>>) dst(%dma_wait3A_99 : memref<64x128xf32, #tpu.memory_space<vmem>>)
    %dma_start3A_105 = arith.constant 0 : i32
    %dma_start3A_106 = arith.constant 0 : i32
    %dma_start3A_107 = tpu.memref_slice %arg8[%dma_start3A_105, %dma_start3A_106] : memref<128x128xf32, #tpu.memory_space<vmem>> -> memref<64x128xf32, #tpu.memory_space<vmem>>
    %dma_start3A_108 = arith.constant 0 : i32
    %dma_start3A_109 = tpu.memref_slice %arg4[%mul3A_2, %dma_start3A_108] : memref<4096x128xf32, #tpu.memory_space<hbm>> -> memref<64x128xf32, #tpu.memory_space<hbm>>
    %dma_start3A_110 = arith.constant 0 : i32
    %dma_start3A_111 = tpu.memref_slice %arg4[%mul3A_2, %dma_start3A_110] : memref<4096x128xf32, #tpu.memory_space<hbm>> -> memref<64x128xf32, #tpu.memory_space<hbm>>
    %dma_start3A_112 = arith.constant 0 : i32
    %dma_start3A_113 = arith.constant 0 : i32
    %dma_start3A_114 = tpu.memref_slice %arg8[%dma_start3A_112, %dma_start3A_113] : memref<128x128xf32, #tpu.memory_space<vmem>> -> memref<64x128xf32, #tpu.memory_space<vmem>>
    tpu.enqueue_dma source(%dma_start3A_114 : memref<64x128xf32, #tpu.memory_space<vmem>>) target(%dma_start3A_111 : memref<64x128xf32, #tpu.memory_space<hbm>>) target_semaphore(%arg10 : memref<!tpu.dma_semaphore, #tpu.memory_space<semaphore_mem>>)
    %dma_wait3A_115 = arith.constant 64 : i32
    %dma_wait3A_116 = arith.constant 0 : i32
    %dma_wait3A_117 = tpu.memref_slice %arg8[%dma_wait3A_115, %dma_wait3A_116] : memref<128x128xf32, #tpu.memory_space<vmem>> -> memref<64x128xf32, #tpu.memory_space<vmem>>
    %dma_wait3A_118 = arith.constant 64 : i32
    %dma_wait3A_119 = tpu.memref_slice %arg7[%dma_wait3A_118] : memref<128xi32, #tpu.memory_space<vmem>> -> memref<64xi32, #tpu.memory_space<vmem>>
    %dma_wait3A_120 = arith.constant 0 : i32
    %dma_wait3A_121 = arith.constant 0 : i32
    %dma_wait3A_122 = tpu.memref_slice %arg3[%dma_wait3A_120, %dma_wait3A_121] : memref<4096x128xf32, #tpu.memory_space<hbm>> -> memref<4096x128xf32, #tpu.memory_space<hbm>>
    tpu.wait_indirect_dma semaphore(%arg11 : memref<!tpu.dma_semaphore, #tpu.memory_space<semaphore_mem>>) src(%dma_wait3A_122 : memref<4096x128xf32, #tpu.memory_space<hbm>>) dst(%dma_wait3A_117 : memref<64x128xf32, #tpu.memory_space<vmem>>)
    %add3A_123 = arith.constant 64 : i32
    %add3A_124 = arith.addi %mul3A_2, %add3A_123 : i32
    %dma_start3A_125 = arith.constant 64 : i32
    %dma_start3A_126 = arith.constant 0 : i32
    %dma_start3A_127 = tpu.memref_slice %arg8[%dma_start3A_125, %dma_start3A_126] : memref<128x128xf32, #tpu.memory_space<vmem>> -> memref<64x128xf32, #tpu.memory_space<vmem>>
    %dma_start3A_128 = arith.constant 0 : i32
    %dma_start3A_129 = tpu.memref_slice %arg4[%add3A_124, %dma_start3A_128] : memref<4096x128xf32, #tpu.memory_space<hbm>> -> memref<64x128xf32, #tpu.memory_space<hbm>>
    %dma_start3A_130 = arith.constant 0 : i32
    %dma_start3A_131 = tpu.memref_slice %arg4[%add3A_124, %dma_start3A_130] : memref<4096x128xf32, #tpu.memory_space<hbm>> -> memref<64x128xf32, #tpu.memory_space<hbm>>
    %dma_start3A_132 = arith.constant 64 : i32
    %dma_start3A_133 = arith.constant 0 : i32
    %dma_start3A_134 = tpu.memref_slice %arg8[%dma_start3A_132, %dma_start3A_133] : memref<128x128xf32, #tpu.memory_space<vmem>> -> memref<64x128xf32, #tpu.memory_space<vmem>>
    tpu.enqueue_dma source(%dma_start3A_134 : memref<64x128xf32, #tpu.memory_space<vmem>>) target(%dma_start3A_131 : memref<64x128xf32, #tpu.memory_space<hbm>>) target_semaphore(%arg10 : memref<!tpu.dma_semaphore, #tpu.memory_space<semaphore_mem>>)
    %dma_wait3A_135 = arith.constant 0 : i32
    %dma_wait3A_136 = arith.constant 0 : i32
    %dma_wait3A_137 = tpu.memref_slice %arg8[%dma_wait3A_135, %dma_wait3A_136] : memref<128x128xf32, #tpu.memory_space<vmem>> -> memref<64x128xf32, #tpu.memory_space<vmem>>
    %dma_wait3A_138 = arith.constant 0 : i32
    %dma_wait3A_139 = tpu.memref_slice %arg4[%mul3A_2, %dma_wait3A_138] : memref<4096x128xf32, #tpu.memory_space<hbm>> -> memref<64x128xf32, #tpu.memory_space<hbm>>
    %dma_wait3A_140 = arith.constant 0 : i32
    %dma_wait3A_141 = tpu.memref_slice %arg4[%mul3A_2, %dma_wait3A_140] : memref<4096x128xf32, #tpu.memory_space<hbm>> -> memref<64x128xf32, #tpu.memory_space<hbm>>
    %dma_wait3A_142 = arith.constant 0 : i32
    %dma_wait3A_143 = arith.constant 0 : i32
    %dma_wait3A_144 = tpu.memref_slice %arg8[%dma_wait3A_142, %dma_wait3A_143] : memref<128x128xf32, #tpu.memory_space<vmem>> -> memref<64x128xf32, #tpu.memory_space<vmem>>
    tpu.wait_dma2 semaphore(%arg10 : memref<!tpu.dma_semaphore, #tpu.memory_space<semaphore_mem>>) src(%dma_wait3A_144 : memref<64x128xf32, #tpu.memory_space<vmem>>) dst(%dma_wait3A_141 : memref<64x128xf32, #tpu.memory_space<hbm>>)
    %dma_wait3A_145 = arith.constant 64 : i32
    %dma_wait3A_146 = arith.constant 0 : i32
    %dma_wait3A_147 = tpu.memref_slice %arg8[%dma_wait3A_145, %dma_wait3A_146] : memref<128x128xf32, #tpu.memory_space<vmem>> -> memref<64x128xf32, #tpu.memory_space<vmem>>
    %dma_wait3A_148 = arith.constant 0 : i32
    %dma_wait3A_149 = tpu.memref_slice %arg4[%add3A_124, %dma_wait3A_148] : memref<4096x128xf32, #tpu.memory_space<hbm>> -> memref<64x128xf32, #tpu.memory_space<hbm>>
    %dma_wait3A_150 = arith.constant 0 : i32
    %dma_wait3A_151 = tpu.memref_slice %arg4[%add3A_124, %dma_wait3A_150] : memref<4096x128xf32, #tpu.memory_space<hbm>> -> memref<64x128xf32, #tpu.memory_space<hbm>>
    %dma_wait3A_152 = arith.constant 64 : i32
    %dma_wait3A_153 = arith.constant 0 : i32
    %dma_wait3A_154 = tpu.memref_slice %arg8[%dma_wait3A_152, %dma_wait3A_153] : memref<128x128xf32, #tpu.memory_space<vmem>> -> memref<64x128xf32, #tpu.memory_space<vmem>>
    tpu.wait_dma2 semaphore(%arg10 : memref<!tpu.dma_semaphore, #tpu.memory_space<semaphore_mem>>) src(%dma_wait3A_154 : memref<64x128xf32, #tpu.memory_space<vmem>>) dst(%dma_wait3A_151 : memref<64x128xf32, #tpu.memory_space<hbm>>)
    return
  }
}

module attributes {stable_mosaic.version = 14 : i64} {
  func.func @_stage1_body(%arg0: memref<4096x128xf32, #tpu.memory_space<vmem>>, %arg1: memref<4096x1xi32, #tpu.memory_space<vmem>>, %arg2: memref<4096x128xf32, #tpu.memory_space<vmem>>, %arg3: memref<1x1xf32, #tpu.memory_space<vmem>>) attributes {dimension_semantics = [], scalar_prefetch = 0 : i64, scratch_operands = 0 : i64, tpu.core_type = #tpu.core_type<tc>} {
    %get3A = arith.constant 0 : index
    %get3A_0 = arith.constant 0 : index
    %get3A_1 = vector.load %arg0[%get3A, %get3A_0] : memref<4096x128xf32, #tpu.memory_space<vmem>>, vector<4096x128xf32>
    %exp3A = math.exp %get3A_1 : vector<4096x128xf32>
    %reduce_sum3A = arith.constant dense<0.000000e+00> : vector<4096xf32>
    %reduce_sum3A_2 = vector.multi_reduction <add>, %exp3A, %reduce_sum3A [1] : vector<4096x128xf32> to vector<4096xf32>
    %broadcast_in_dim3A = vector.shape_cast %reduce_sum3A_2 : vector<4096xf32> to vector<4096x1xf32>
    %div3A = arith.constant 1.000000e+00 : f32
    %div3A_3 = vector.broadcast %div3A : f32 to vector<4096x1xf32>
    %div3A_4 = arith.divf %div3A_3, %broadcast_in_dim3A : vector<4096x1xf32>
    %mul3A = vector.broadcast %div3A_4 : vector<4096x1xf32> to vector<4096x128xf32>
    %mul3A_5 = arith.mulf %exp3A, %mul3A : vector<4096x128xf32>
    %jit3A = arith.constant 9.99999974E-5 : f32
    %jit3A_6 = arith.constant 0.999899983 : f32
    %max3A = vector.broadcast %jit3A : f32 to vector<4096x128xf32>
    %max3A_7 = arith.maximumf %max3A, %mul3A_5 : vector<4096x128xf32>
    %min3A = vector.broadcast %jit3A_6 : f32 to vector<4096x128xf32>
    %min3A_8 = arith.minimumf %min3A, %max3A_7 : vector<4096x128xf32>
    %swap3A = arith.constant 0 : index
    %swap3A_9 = arith.constant 0 : index
    %swap3A_10 = vector.load %arg2[%swap3A, %swap3A_9] : memref<4096x128xf32, #tpu.memory_space<vmem>>, vector<4096x128xf32>
    tpu.vector_store %arg2[%swap3A, %swap3A_9], %min3A_8 {strides = array<i32>} : memref<4096x128xf32, #tpu.memory_space<vmem>>, vector<4096x128xf32>,
    %get3A_11 = arith.constant 0 : index
    %get3A_12 = arith.constant 0 : index
    %get3A_13 = vector.load %arg1[%get3A_11, %get3A_12] : memref<4096x1xi32, #tpu.memory_space<vmem>>, vector<4096x1xi32>
    %iota3A = tpu.iota {dimensions = array<i32: 1>} : vector<4096x128xi32>
    %eq3A = vector.broadcast %get3A_13 : vector<4096x1xi32> to vector<4096x128xi32>
    %eq3A_14 = arith.cmpi eq, %iota3A, %eq3A : vector<4096x128xi32>
    %jit3A_15 = arith.constant 0.000000e+00 : f32
    %broadcast_in_dim3A_16 = vector.broadcast %jit3A_15 : f32 to vector<4096x128xf32>
    %select_n3A = arith.select %eq3A_14, %get3A_1, %broadcast_in_dim3A_16 : vector<4096x128xi1>, vector<4096x128xf32>
    %reduce_sum3A_17 = arith.constant dense<0.000000e+00> : vector<4096xf32>
    %reduce_sum3A_18 = vector.multi_reduction <add>, %select_n3A, %reduce_sum3A_17 [1] : vector<4096x128xf32> to vector<4096xf32>
    %broadcast_in_dim3A_19 = vector.shape_cast %reduce_sum3A_18 : vector<4096xf32> to vector<4096x1xf32>
    %log3A = math.log %broadcast_in_dim3A : vector<4096x1xf32>
    %sub3A = arith.subf %broadcast_in_dim3A_19, %log3A : vector<4096x1xf32>
    %reduce_sum3A_20 = vector.shape_cast %sub3A : vector<4096x1xf32> to vector<1x4096x1xf32>
    %reduce_sum3A_21 = arith.constant dense<0.000000e+00> : vector<1xf32>
    %reduce_sum3A_22 = vector.multi_reduction <add>, %reduce_sum3A_20, %reduce_sum3A_21 [1, 2] : vector<1x4096x1xf32> to vector<1xf32>
    %reduce_sum3A_23 = vector.shape_cast %reduce_sum3A_22 : vector<1xf32> to vector<1x1x1xf32>
    %reduce_sum3A_24 = vector.extract %reduce_sum3A_23[0, 0, 0] : f32 from vector<1x1x1xf32>
    %neg3A = arith.constant 0.000000e+00 : f32
    %neg3A_25 = arith.subf %neg3A, %reduce_sum3A_24 : f32
    %div3A_26 = arith.constant 4.096000e+03 : f32
    %div3A_27 = arith.divf %neg3A_25, %div3A_26 : f32
    %reshape3A = vector.broadcast %div3A_27 : f32 to vector<1x1xf32>
    %swap3A_28 = arith.constant 0 : index
    %swap3A_29 = arith.constant 0 : index
    %swap3A_30 = vector.load %arg3[%swap3A_28, %swap3A_29] : memref<1x1xf32, #tpu.memory_space<vmem>>, vector<1x1xf32>
    tpu.vector_store %arg3[%swap3A_28, %swap3A_29], %reshape3A {strides = array<i32>} : memref<1x1xf32, #tpu.memory_space<vmem>>, vector<1x1xf32>,
    return
  }
}

module attributes {stable_mosaic.version = 14 : i64} {
  func.func @_stage3_body(%arg0: i32, %arg1: memref<1024x128xf32, #tpu.memory_space<vmem>>, %arg2: memref<1024x128xf32, #tpu.memory_space<vmem>>, %arg3: memref<1x1xf32, #tpu.memory_space<vmem>>, %arg4: memref<1x1xf32, #tpu.memory_space<vmem>>) attributes {dimension_semantics = [#tpu.dimension_semantics<arbitrary>], iteration_bounds = array<i64: 4>, scalar_prefetch = 0 : i64, scratch_operands = 0 : i64, tpu.core_type = #tpu.core_type<tc>, window_params = [{transform_indices = @transform_0, window_bounds = array<i64: 1024, 128>}, {transform_indices = @transform_1, window_bounds = array<i64: 1024, 128>}, {pipeline_mode = #tpu.pipeline_mode<synchronous>, transform_indices = @transform_2, window_bounds = array<i64: 1, 1>}, {pipeline_mode = #tpu.pipeline_mode<synchronous>, transform_indices = @transform_3, window_bounds = array<i64: 1, 1>}]} {
    %get3A = arith.constant 0 : index
    %get3A_0 = arith.constant 0 : index
    %get3A_1 = vector.load %arg1[%get3A, %get3A_0] : memref<1024x128xf32, #tpu.memory_space<vmem>>, vector<1024x128xf32>
    %get3A_2 = arith.constant 0 : index
    %get3A_3 = arith.constant 0 : index
    %get3A_4 = vector.load %arg2[%get3A_2, %get3A_3] : memref<1024x128xf32, #tpu.memory_space<vmem>>, vector<1024x128xf32>
    %exp3A = math.exp %get3A_4 : vector<1024x128xf32>
    %reduce_sum3A = arith.constant dense<0.000000e+00> : vector<1024xf32>
    %reduce_sum3A_5 = vector.multi_reduction <add>, %exp3A, %reduce_sum3A [1] : vector<1024x128xf32> to vector<1024xf32>
    %broadcast_in_dim3A = vector.shape_cast %reduce_sum3A_5 : vector<1024xf32> to vector<1024x1xf32>
    %div3A = arith.constant 1.000000e+00 : f32
    %div3A_6 = vector.broadcast %div3A : f32 to vector<1024x1xf32>
    %div3A_7 = arith.divf %div3A_6, %broadcast_in_dim3A : vector<1024x1xf32>
    %mul3A = vector.broadcast %div3A_7 : vector<1024x1xf32> to vector<1024x128xf32>
    %mul3A_8 = arith.mulf %exp3A, %mul3A : vector<1024x128xf32>
    %jit3A = arith.constant 9.99999974E-5 : f32
    %jit3A_9 = arith.constant 0.999899983 : f32
    %max3A = vector.broadcast %jit3A : f32 to vector<1024x128xf32>
    %max3A_10 = arith.maximumf %max3A, %mul3A_8 : vector<1024x128xf32>
    %min3A = vector.broadcast %jit3A_9 : f32 to vector<1024x128xf32>
    %min3A_11 = arith.minimumf %min3A, %max3A_10 : vector<1024x128xf32>
    %mul3A_12 = arith.mulf %min3A_11, %get3A_1 : vector<1024x128xf32>
    %reduce_sum3A_13 = arith.constant dense<0.000000e+00> : vector<1024xf32>
    %reduce_sum3A_14 = vector.multi_reduction <add>, %mul3A_12, %reduce_sum3A_13 [1] : vector<1024x128xf32> to vector<1024xf32>
    %mul3A_15 = arith.constant 0.699999988 : f32
    %mul3A_16 = vector.broadcast %mul3A_15 : f32 to vector<1024xf32>
    %mul3A_17 = arith.mulf %mul3A_16, %reduce_sum3A_14 : vector<1024xf32>
    %reduce_sum3A_18 = arith.constant dense<0.000000e+00> : vector<1024xf32>
    %reduce_sum3A_19 = vector.multi_reduction <add>, %min3A_11, %reduce_sum3A_18 [1] : vector<1024x128xf32> to vector<1024xf32>
    %div3A_20 = arith.constant 1.000000e+00 : f32
    %div3A_21 = vector.broadcast %div3A_20 : f32 to vector<1024xf32>
    %div3A_22 = arith.divf %div3A_21, %reduce_sum3A_19 : vector<1024xf32>
    %mul3A_23 = arith.mulf %mul3A_17, %div3A_22 : vector<1024xf32>
    %sub3A = arith.constant 1.000000e+00 : f32
    %sub3A_24 = vector.broadcast %sub3A : f32 to vector<1024xf32>
    %sub3A_25 = arith.subf %sub3A_24, %mul3A_23 : vector<1024xf32>
    %log3A = math.log %sub3A_25 : vector<1024xf32>
    %eq3A = arith.constant 0 : i32
    %eq3A_26 = arith.cmpi eq, %arg0, %eq3A : i32
    %convert_element_type3A = arith.extui %eq3A_26 : i1 to i32
    %cond3A = arith.constant 0 : i32
    %cond3A_27 = arith.cmpi ne, %convert_element_type3A, %cond3A : i32
    scf.if %cond3A_27 {
      %get3A_43 = arith.constant 0 : index
      %get3A_44 = arith.constant 0 : index
      %get3A_45 = vector.load %arg3[%get3A_43, %get3A_44] : memref<1x1xf32, #tpu.memory_space<vmem>>, vector<1x1xf32>
      %swap3A_46 = arith.constant 0 : index
      %swap3A_47 = arith.constant 0 : index
      %swap3A_48 = vector.load %arg4[%swap3A_46, %swap3A_47] : memref<1x1xf32, #tpu.memory_space<vmem>>, vector<1x1xf32>
      tpu.vector_store %arg4[%swap3A_46, %swap3A_47], %get3A_45 {strides = array<i32>} : memref<1x1xf32, #tpu.memory_space<vmem>>, vector<1x1xf32>,
    } else {
    }
    %get3A_28 = arith.constant 0 : index
    %get3A_29 = arith.constant 0 : index
    %get3A_30 = vector.load %arg4[%get3A_28, %get3A_29] : memref<1x1xf32, #tpu.memory_space<vmem>>, vector<1x1xf32>
    %reduce_sum3A_31 = vector.shape_cast %log3A : vector<1024xf32> to vector<1x1024xf32>
    %reduce_sum3A_32 = arith.constant dense<0.000000e+00> : vector<1xf32>
    %reduce_sum3A_33 = vector.multi_reduction <add>, %reduce_sum3A_31, %reduce_sum3A_32 [1] : vector<1x1024xf32> to vector<1xf32>
    %reduce_sum3A_34 = vector.shape_cast %reduce_sum3A_33 : vector<1xf32> to vector<1x1xf32>
    %reduce_sum3A_35 = vector.extract %reduce_sum3A_34[0, 0] : f32 from vector<1x1xf32>
    %div3A_36 = arith.constant 4.096000e+03 : f32
    %div3A_37 = arith.divf %reduce_sum3A_35, %div3A_36 : f32
    %reshape3A = vector.broadcast %div3A_37 : f32 to vector<1x1xf32>
    %mul3A_38 = arith.constant 3.000000e+00 : f32
    %mul3A_39 = vector.broadcast %mul3A_38 : f32 to vector<1x1xf32>
    %mul3A_40 = arith.mulf %mul3A_39, %reshape3A : vector<1x1xf32>
    %add3A = arith.addf %get3A_30, %mul3A_40 : vector<1x1xf32>
    %swap3A = arith.constant 0 : index
    %swap3A_41 = arith.constant 0 : index
    %swap3A_42 = vector.load %arg4[%swap3A, %swap3A_41] : memref<1x1xf32, #tpu.memory_space<vmem>>, vector<1x1xf32>
    tpu.vector_store %arg4[%swap3A, %swap3A_41], %add3A {strides = array<i32>} : memref<1x1xf32, #tpu.memory_space<vmem>>, vector<1x1xf32>,
    return
  }
  func.func @transform_0(%arg0: i32) -> (i32, i32) {
    %c0_i32 = arith.constant 0 : i32
    %c0_i32_0 = arith.constant 0 : i32
    return %arg0, %c0_i32 : i32, i32
  }
  func.func @transform_1(%arg0: i32) -> (i32, i32) {
    %c0_i32 = arith.constant 0 : i32
    %c0_i32_0 = arith.constant 0 : i32
    return %arg0, %c0_i32 : i32, i32
  }
  func.func @transform_2(%arg0: i32) -> (i32, i32) {
    %c0_i32 = arith.constant 0 : i32
    %c0_i32_0 = arith.constant 0 : i32
    %c0_i32_1 = arith.constant 0 : i32
    return %c0_i32, %c0_i32_0 : i32, i32
  }
  func.func @transform_3(%arg0: i32) -> (i32, i32) {
    %c0_i32 = arith.constant 0 : i32
    %c0_i32_0 = arith.constant 0 : i32
    %c0_i32_1 = arith.constant 0 : i32
    return %c0_i32, %c0_i32_0 : i32, i32
  }
}

</mosaic_0001>

<sc_bundles>
// kernel: kernel.5.cloned.1.call-start
scs
__scs_entry_jumppad:
0x0: {  	(pc) =	sbr.rel $0x88, $3  }
0x1: {  	(tag) =	ssettag $0x0;
	lr =	simm.s32 $0x1  }
0x2: {  	[smem:$0x3F9E] =	sst lr;
	_ =	strace $0xD0000000  }
0x3: {  	_ = 	snop  }
0x4: {  	_ = 	snop  }
0x5: {  	_ = 	snop  }
0x6: {  	_ = 	snop  }
0x7: {  	_ = 	snop  }
__scs_overlays_trampoline_lowered:
0x8: {  	[smem:$0x3FAD] =	sst s0  }
0x9: {  	[smem:$0x3FAE] =	sst s1  }
0xa: {  	[smem:$0x3FAF] =	sst s2  }
0xb: {  	[smem:$0x3FB0] =	sst s3  }
0xc: {  	[smem:$0x3FB1] =	sst s4  }
0xd: {  	[smem:$0x3FB2] =	sst s5  }
0xe: {  	[smem:$0x3FB3] =	sst s6  }
0xf: {  	[smem:$0x3FB4] =	sst s7  }
0x10: {  	[smem:$0x3FB5] =	sst s8  }
0x11: {  	[smem:$0x3FB6] =	sst s9;
	s0 =	simm.s32 @!p0 $0x0  }
0x12: {  	s1 =	sld [smem:$0x3F9C];
	s0 =	simm.s32 @p0 $0x1  }
0x13: {  	[smem:$0x3FB7] =	sst s0;
	s0 =	simm.s32 @!p1 $0x0  }
0x14: {  	s2 =	sld [smem:$0x3F9B];
	s0 =	simm.s32 @p1 $0x1  }
0x15: {  	[smem:$0x3FB8] =	sst s0;
	s0 =	simm.s32 @!p2 $0x0  }
0x16: {  	s3 =	sld [smem:$0x3FDB];
	s0 =	simm.s32 @p2 $0x1  }
0x17: {  	s4 =	simm.s32 $0x1BF5;
	[smem:$0x3FBA] =	sst s0  }
0x18: {  	s0 =	sld [smem:$0x3F9D];
	_ =	swait.ge [sflag:s4], $0x0  }
0x19: {  	s7 =	sld [smem:$0x3F9E]  }
0x1a: {  	s8 =	sadd.s32 $0xFFFFE003, lr  }
0x1b: {  	s9 =	sadd.s32 $0xFFFFFEF7, lr;
	s5 =	simm.s32 $0xFFFFFFFF;
	p2 =	slt.u32 s8, $0xFFFFF086  }
0x1c: {  	p1 =	slt.u32 s9, $0xF7A;
	s5 =	simm.s32 @!p2 $0x0  }
0x1d: {  	s5 =	simm.s32 @p1 $0x1;
	p0 =	seq.s32 s7, s2  }
0x1e: {  	s7 =	smul.u32 @!p0 $0xF7A, s2;
	p2 =	seq.s32 @!p0 s5, $0x0  }
0x1f: {  	s9 =	smul.u32 $0xF7A, s1;
	s8 =	simm.s32 @!p0 $0x1BF5;
	p2 =	por !p2, p0  }
0x20: {  	[sflag:s8] =	ssyncset.s32 @!p0 $0xFFFFF086;
	s6 =	sadd.s32 @!p0 s3, s7;
	s7 =	simm.s32 @!p0 $0x108  }
0x21: {  	s3 =	sadd.s32 s3, s9;
	s6 =	sadd.s32 @!p0 $0x88, s6;
	s7 =	simm.s32 @p2 $0x1082  }
0x22: {  	[simem:s7], [sflag:s8] =	dma.local @!p0 [hbm:s6], $0xF7A  }
0x23: {  	s9 =	sor.u32 $0xD0000000, s2;
	s6 =	simm.s32 $0x108;
	_ =	swait.ge @!p0 [sflag:s8], $0x0  }
0x24: {  	s3 =	sadd.s32 $0x88, s3;
	s6 =	simm.s32 @!p1 $0x1082;
	[sflag:s4] =	ssyncset.s32 $0xFFFFF086  }
0x25: {  	[simem:s6], [sflag:s4] =	dma.local [hbm:s3], $0xF7A  }
0x26: {  	[smem:$0x3F9E] =	sst s1;
	(tag) =	ssettag s2;
	_ =	strace s9  }
0x27: {  	s1 =	sld [smem:$0x3FAE]  }
0x28: {  	s2 =	sld [smem:$0x3FAF]  }
0x29: {  	s4 =	sld [smem:$0x3FB1]  }
0x2a: {  	p0 =	seq.s32 s5, $0x0;
	s5 =	sld [smem:$0x3FB2]  }
0x2b: {  	s6 =	sld [smem:$0x3FB3]  }
0x2c: {  	s7 =	sld [smem:$0x3FB4]  }
0x2d: {  	s3 =	simm.s32 $0x108;
	s8 =	sld [smem:$0x3FB5]  }
0x2e: {  	s3 =	simm.s32 @!p0 $0x1082;
	s9 =	sld [smem:$0x3FB6]  }
0x2f: {  	lr =	sadd.s32 s0, s3;
	s0 =	sld [smem:$0x3FAD]  }
0x30: {  	s3 =	sld [smem:$0x3FB0]  }
0x31: {  	[smem:$0x3FB9] =	sst s10  }
0x32: {  	s10 =	sld [smem:$0x3FB7];
	_ =	sdelay $0x3  }
0x33: {  	p0 =	seq.s32 s10, $0x1;
	s10 =	sld [smem:$0x3FB9];
	_ =	sdelay $0x3  }
0x34: {  	[smem:$0x3FB9] =	sst s10  }
0x35: {  	s10 =	sld [smem:$0x3FB8];
	_ =	sdelay $0x3  }
0x36: {  	p1 =	seq.s32 s10, $0x1;
	s10 =	sld [smem:$0x3FB9];
	_ =	sdelay $0x3  }
0x37: {  	[smem:$0x3FB9] =	sst s10  }
0x38: {  	s10 =	sld [smem:$0x3FBA]  }
0x39: {  	_ = 	snop;
	(pc) =	sbr.ind lr, $3  }
0x3a: {  	_ = 	snop  }
0x3b: {  	_ = 	snop  }
0x3c: {  	p2 =	seq.s32 s10, $0x1;
	s10 =	sld [smem:$0x3FB9]  }
0x3d: {  	_ =	shalt  }
0x3e: {  	_ =	shalt  }
0x3f: {  	_ =	shalt  }
0x40: {  	_ =	shalt  }
0x41: {  	_ =	shalt  }
0x42: {  	_ =	shalt  }
0x43: {  	_ =	shalt  }
0x44: {  	_ =	shalt  }
0x45: {  	_ =	shalt  }
0x46: {  	_ =	shalt  }
0x47: {  	_ =	shalt  }
0x48: {  	_ =	shalt  }
0x49: {  	_ =	shalt  }
0x4a: {  	_ =	shalt  }
0x4b: {  	_ =	shalt  }
0x4c: {  	_ =	shalt  }
0x4d: {  	_ =	shalt  }
0x4e: {  	_ =	shalt  }
0x4f: {  	_ =	shalt  }
0x50: {  	_ =	shalt  }
0x51: {  	_ =	shalt  }
0x52: {  	_ =	shalt  }
0x53: {  	_ =	shalt  }
0x54: {  	_ =	shalt  }
0x55: {  	_ =	shalt  }
0x56: {  	_ =	shalt  }
0x57: {  	_ =	shalt  }
0x58: {  	_ =	shalt  }
0x59: {  	_ =	shalt  }
0x5a: {  	_ =	shalt  }
0x5b: {  	_ =	shalt  }
0x5c: {  	_ =	shalt  }
0x5d: {  	_ =	shalt  }
0x5e: {  	_ =	shalt  }
0x5f: {  	_ =	shalt  }
0x60: {  	_ =	shalt  }
0x61: {  	_ =	shalt  }
0x62: {  	_ =	shalt  }
0x63: {  	_ =	shalt  }
0x64: {  	_ =	shalt  }
0x65: {  	_ =	shalt  }
0x66: {  	_ =	shalt  }
0x67: {  	_ =	shalt  }
0x68: {  	_ =	shalt  }
0x69: {  	_ =	shalt  }
0x6a: {  	_ =	shalt  }
0x6b: {  	_ =	shalt  }
0x6c: {  	_ =	shalt  }
0x6d: {  	_ =	shalt  }
0x6e: {  	_ =	shalt  }
0x6f: {  	_ =	shalt  }
0x70: {  	_ =	shalt  }
0x71: {  	_ =	shalt  }
0x72: {  	_ =	shalt  }
0x73: {  	_ =	shalt  }
0x74: {  	_ =	shalt  }
0x75: {  	_ =	shalt  }
0x76: {  	_ =	shalt  }
0x77: {  	_ =	shalt  }
0x78: {  	_ =	shalt  }
0x79: {  	_ =	shalt  }
0x7a: {  	_ =	shalt  }
0x7b: {  	_ =	shalt  }
0x7c: {  	_ =	shalt  }
0x7d: {  	_ =	shalt  }
0x7e: {  	_ =	shalt  }
0x7f: {  	_ =	shalt  }
0x80: {  	_ =	shalt  }
0x81: {  	_ =	shalt  }
0x82: {  	_ =	shalt  }
0x83: {  	_ =	shalt  }
0x84: {  	_ =	shalt  }
0x85: {  	_ =	shalt  }
0x86: {  	_ =	shalt  }
0x87: {  	_ =	shalt  }
.Lfunc_end0:
.L_simem_size_0:
called_computation_lowered:
.L_overlay_start_0:
0x88: {  	s2 =	sld [smem:$0x3FD9]  }
0x89: {  	s3 =	sld [smem:$0x3FFE];
	_ =	sdelay $0x1  }
0x8a: {  	s1 =	srdreg.scid  }
0x8b: {  	s0 =	sand.u32 $0x1, s1  }
0x8c: {  	s17 =	sshll.u32 s0, $0xA;
	s2 =	sadd.s32 s3, s2  }
0x8d: {  	s2 =	sadd.s32 s2, s17  }
0x8e: {  	[smem:$0x3FC5] =	sst s2  }
0x8f: {  	_ = 	snop  }
0x90: {  	s2 =	sld [smem:$0x3FC9]  }
0x91: {  	s18 =	sld [smem:$0x3FC8];
	(tm) =	ssettm $0x1  }
0x92: {  	s4 =	sld [smem:$0x3FFB];
	_ =	sdelay $0x3  }
0x93: {  	_ =	strace s4  }
0x94: {  	s4 =	sld [smem:$0x3FFC];
	_ =	sdelay $0x3  }
0x95: {  	_ =	strace s4  }
0x96: {  	s4 =	sld [smem:$0x3FFD];
	_ =	sdelay $0x3  }
0x97: {  	_ =	strace s4  }
0x98: {  	_ =	strace $0x8FFFFFFF  }
0x99: {  	s19 =	sld [smem:$0x3FDB];
	_ =	sdelay $0x1  }
0x9a: {  	s5 =	simm.s32 $_scs_section_size  }
0x9b: {  	s6 =	simm.s32 $_size__tile_overlayer_lowered;
	s7 =	simm.s32 $_tile_overlayer_lowered  }
0x9c: {  	s22 =	simm.s32 $0x1BFF;
	s21 =	sshll.u32 s7, $0x1;
	s4 =	sadd.s32 s5, s19  }
0x9d: {  	s8 =	simm.s32 $0x0;
	s20 =	sshll.u32 s6, $0x1;
	s6 =	sadd.s32 s21, s4  }
0x9e: {  	[timem:s8], [sflag:s22] =	dma.local [hbm:s6], s20  }
0x9f: {  	_ =	swait.ge [sflag:s22], s20  }
0xa0: {  	s5 =	ssub.s32 $0x0, s20;
	[sflag:s22] =	ssyncset.done $0x0  }
0xa1: {  	[sflag:s22] =	ssyncadd.s32 s5;
	_ =	sdelay $0x1  }
0xa2: {  	s23 =	simm.s32 $0x1B8B  }
0xa3: {  	_ =	swait.ge [sflag:s23], $0x1  }
0xa4: {  	[sflag:s23] =	ssyncset.done $0x0  }
0xa5: {  	s25 =	simm.s32 $0x1B8E;
	s24 =	sld [smem:$0x3FFE];
	[sflag:s23] =	ssyncadd.s32 $0xFFFFFFFF  }
0xa6: {  	s26 =	simm.s32 $execute0_lowered;
	[smem:$0x3FD2] =	sst s25  }
0xa7: {  	s6 =	sshll.u32 s26, $0x1;
	_ =	strace $0x80000046;
	[dreg:$0x1] =	wrdreg $0xFFFFFFFF  }
0xa8: {  	s28 =	simm.s32 $_size_execute0_lowered;
	s4 =	sadd.s32 s4, s6;
	[dreg:$0x0] =	wrdreg $0x0  }
0xa9: {  	s6 =	sshll.u32 s28, $0x1;
	[dreg:$0x2] =	wrdreg s4  }
0xaa: {  	[dreg:$0x3] =	wrdreg s6  }
0xab: {  	[dreg:$0x4] =	wrdreg $0xC0  }
0xac: {  	_ =	task [dreg:s8], $0x5FFFF  }
0xad: {  	[dreg:$0x1] =	wrdreg $0xFFFFFFFF  }
0xae: {  	[dreg:$0x0] =	wrdreg $0x60  }
0xaf: {  	[dreg:$0x2] =	wrdreg s2  }
0xb0: {  	[dreg:$0x3] =	wrdreg s18  }
0xb1: {  	[dreg:$0x4] =	wrdreg s24  }
0xb2: {  	[dreg:$0x5] =	wrdreg $0x9  }
0xb3: {  	_ =	task.clear_ibuf [dreg:s8], $0x6FFFF;
	_ =	strace $0x90000046  }
0xb4: {  	s29 =	simm.s32 $0x9;
	_ =	strace $0x80000048  }
0xb5: {  	_ =	swait.ge [sflag:s29], $0x1  }
0xb6: {  	[sflag:s29] =	ssyncadd.s32 $0xFFFFFFFF  }
0xb7: {  	_ =	strace $0x90000048  }
0xb8: {  	_ =	sfence  }
0xb9: {  	s30 =	sld [smem:$0x0];
	_ =	sdelay $0x2  }
0xba: {  	s31 =	sshll.u32 s1, $0xD;
	s1 =	sshrl.u32 s1, $0x2  }
0xbb: {  	s3 =	sand.u32 $0x4000, s31;
	s1 =	sadd.s32 s1, s30  }
0xbc: {  	s0 =	sor.u32 s3, s0;
	s1 =	sshll.u32 s1, $0x11  }
0xbd: {  	s0 =	sor.u32 s1, s0  }
0xbe: {  	s0 =	sadd.s32 $0x8F2B, s0  }
0xbf: {  	[sflag:s0] =	ssyncadd.remote.s32 $0x1  }
0xc0: {  	_ =	sfence.sel $0xFFFF  }
0xc1: {  	[dreg:$0x0] =	wrdreg $0xFFFFFFFF;
	(pc) =	sbr.abs _section_cstart, $3  }
0xc2: {  	[dreg:$0x1] =	wrdreg $0xFFFFFFFF  }
0xc3: {  	_ =	task.clear_ibuf [dreg:s8], $0x2FFFF;
	_ =	strace $0x9FFFFFFF  }
0xc4: {  	(tm) =	ssettm $0x7FFFFFFF  }
0xc5: {  	_ =	shalt  }
tec
execute0_lowered:
.L_overlay_start_1:
0x0: {  	(tag) =	ssettag $0x1  }
0x1: {  	s1 =	rddreg [dreg:$0x0]  }
0x2: {  	s3 =	rddreg [dreg:$0x1]  }
0x3: {  	s6 =	rddreg [dreg:$0x2];
	s4 =	srdreg.scid  }
0x4: {  	s0 =	rddreg [dreg:$0x3];
	s2 =	stileid.u32;
	s10 =	simm.s32 $0x18700  }
0x5: {  	s11 =	simm.s32 $0x4;
	s12 =	simm.s32 $0x18F00;
	s13 =	simm.s32 $0x3  }
0x6: {  	s14 =	simm.s32 $0x40;
	s15 =	simm.s32 $0x19700;
	s16 =	simm.s32 $0x19780  }
0x7: {  	s17 =	simm.s32 $0x19740;
	s18 =	simm.s32 $0x1B780;
	s19 =	simm.s32 $0x1  }
0x8: {  	s20 =	simm.s32 $0x2;
	s21 =	simm.s32 $0x0;
	s7 =	sand.u32 $0x1, s4  }
0x9: {  	s4 =	simm.s32 $0x0;
	s5 =	sshll.u32 s2, $0x8;
	s8 =	sshll.u32 s7, $0x7  }
0xa: {  	[smem:$0x7FF] =	sst s4;
	s7 =	ssub.s32 $0x2, s7;
	s5 =	sor.u32 s8, s5  }
0xb: {  	_ =	strace $0x80000047;
	s9 =	sshrl.u32 s7, $0x1;
	s8 =	sshll.u32 s5, $0x4  }
0xc: {  	s9 =	ssub.s32 s7, s9;
	s8 =	sadd.s32 s8, s6;
	s6 =	sadd.s32 $0x100, s1  }
0xd: {  	s9 =	smax.u32 s9, $0x1;
	s7 =	sadd.s32 $0xC00, s8;
	s8 =	sadd.s32 $0x1000, s8  }
.LBB2_1:
0xe: {  	[tilespmem:s10], [sflag:$0x4] =	stream.linear.gather [hbm4b:s1+s4], $0x800, $0x38;
	[tilespmem:$0x1D780] =	vst v63  }
0xf: {  	_ =	swait.ge [sflag:s11], $0x800  }
0x10: {  	[sflag:s11] =	ssyncset.done $0x0  }
0x11: {  	s22 =	simm.s32 $0x0;
	[sflag:s11] =	ssyncadd.s32 $0xFFFFF800  }
0x12: {  	[tilespmem:s12], [sflag:$0x3] =	stream.linear.gather [hbm4b:s6+s4], $0x800, $0x38;
	[tilespmem:$0x1D780] =	vst v63  }
0x13: {  	v2 =	vld [tilespmem:s22+$0x18700]  }
0x14: {  	v3 =	vld [tilespmem:s22+$0x18710];
	_ =	sdelay $0x2  }
0x15: {  	v4 =	vld [tilespmem:s22+$0x18720]  }
0x16: {  	(xrf1) =	vunique.msk.u32 $0xffff, v2  }
0x17: {  	(xrf1) =	vunique.msk.u32 $0xffff, v3  }
0x18: {  	v1 =	vld [tilespmem:s22+$0x18730];
	_ =	sdelay $0x1  }
0x19: {  	(xrf1) =	vunique.msk.u32 $0xffff, v4;
	_ =	sdelay $0x2  }
0x1a: {  	(xrf1) =	vunique.msk.u32 $0xffff, v1;
	_ =	sdelay $0x6  }
0x1b: {  	_, v0, vm0 =	vpop (xrf1)  }
0x1c: {  	_, v0, vm1 =	vpop (xrf1);
	_ =	sdelay $0x2  }
0x1d: {  	_, v0, vm2 =	vpop (xrf1)  }
0x1e: {  	v0 =	vlaneseq.u32  }
0x1f: {  	[tilespmem:v2+s4+$0x0] =	vst.idx.msk vm0, v0;
	v2 =	vadd.s32 $0x10, v0  }
0x20: {  	[tilespmem:v3+s4+$0x0] =	vst.idx.msk vm1, v2;
	_, v3, vm0 =	vpop (xrf1);
	_ =	sdelay $0x2  }
0x21: {  	v2 =	vadd.s32 $0x20, v0  }
0x22: {  	s23 =	simm.s32 $0x100;
	s22 =	simm.s32 $0x200;
	[tilespmem:v4+s4+$0x0] =	vst.idx.msk vm2, v2;
	v2 =	vadd.s32 $0x30, v0  }
.LBB2_2:
0x23: {  	p0 =	sne.s32 s22, $0x1F00  }
0x24: {  	s24 =	sshra.s32 s23, $0x2;
	[tilespmem:v1+s4+$0x0] =	vst.idx.msk vm0, v2;
	v0 =	vadd.s32 $0x40, v0;
	s23 =	smov.u32 s22;
	s22 =	sadd.s32 $0x100, s22  }
0x25: {  	v2 =	vld [tilespmem:s24+$0x18700]  }
0x26: {  	v3 =	vld [tilespmem:s24+$0x18710]  }
0x27: {  	v4 =	vld [tilespmem:s24+$0x18720]  }
0x28: {  	v1 =	vld [tilespmem:s24+$0x18730];
	_ =	sdelay $0x1  }
0x29: {  	(xrf1) =	vunique.msk.u32 $0xffff, v2  }
0x2a: {  	(xrf1) =	vunique.msk.u32 $0xffff, v3  }
0x2b: {  	(xrf1) =	vunique.msk.u32 $0xffff, v4  }
0x2c: {  	(xrf1) =	vunique.msk.u32 $0xffff, v1;
	_ =	sdelay $0xa  }
0x2d: {  	_, v5, vm1 =	vpop (xrf1)  }
0x2e: {  	_, v5, vm2 =	vpop (xrf1)  }
0x2f: {  	_, v5, vm3 =	vpop (xrf1)  }
0x30: {  	_, v5, vm0 =	vpop (xrf1)  }
.Ltmp0:
0x31: {  	(pc) =	sbr.rel @p0 .LBB2_2-.Ltmp0, $4  }
0x32: {  	_ = 	snop  }
0x33: {  	[tilespmem:v2+s4+$0x0] =	vst.idx.msk vm1, v0;
	v2 =	vadd.s32 $0x10, v0  }
0x34: {  	[tilespmem:v3+s4+$0x0] =	vst.idx.msk vm2, v2;
	v2 =	vadd.s32 $0x20, v0  }
0x35: {  	[tilespmem:v4+s4+$0x0] =	vst.idx.msk vm3, v2;
	v2 =	vadd.s32 $0x30, v0  }
0x36: {  	_ =	sdelay $0x4  }
0x37: {  	s22 =	sshra.s32 s23, $0x2;
	[tilespmem:v1+s4+$0x0] =	vst.idx.msk vm0, v2  }
0x38: {  	v1 =	vld [tilespmem:s22+$0x18700]  }
0x39: {  	v2 =	vld [tilespmem:s22+$0x18710]  }
0x3a: {  	v3 =	vld [tilespmem:s22+$0x18720]  }
0x3b: {  	v4 =	vld [tilespmem:s22+$0x18730];
	_ =	sdelay $0x1  }
0x3c: {  	(xrf1) =	vunique.msk.u32 $0xffff, v1  }
0x3d: {  	(xrf1) =	vunique.msk.u32 $0xffff, v2  }
0x3e: {  	(xrf1) =	vunique.msk.u32 $0xffff, v3  }
0x3f: {  	(xrf1) =	vunique.msk.u32 $0xffff, v4;
	_ =	sdelay $0xa  }
0x40: {  	_, v5, vm0 =	vpop (xrf1)  }
0x41: {  	_, v5, vm1 =	vpop (xrf1)  }
0x42: {  	_, v5, vm2 =	vpop (xrf1)  }
0x43: {  	_, v5, vm3 =	vpop (xrf1);
	_ =	sdelay $0x1  }
0x44: {  	v0 =	vadd.s32 $0x40, v0  }
0x45: {  	[tilespmem:v1+s4+$0x0] =	vst.idx.msk vm0, v0;
	v1 =	vadd.s32 $0x10, v0  }
0x46: {  	[tilespmem:v2+s4+$0x0] =	vst.idx.msk vm1, v1;
	v1 =	vadd.s32 $0x20, v0  }
0x47: {  	[tilespmem:v3+s4+$0x0] =	vst.idx.msk vm2, v1;
	v1 =	vadd.s32 $0x30, v0  }
0x48: {  	[tilespmem:v4+s4+$0x0] =	vst.idx.msk vm3, v1  }
0x49: {  	_ =	swait.ge [sflag:s13], $0x800  }
0x4a: {  	[sflag:s13] =	ssyncset.done $0x0  }
0x4b: {  	s31 =	simm.s32 $0x0;
	[sflag:s13] =	ssyncadd.s32 $0xFFFFF800  }
0x4c: {  	v2 =	vld [tilespmem:s31+$0x18F00]  }
0x4d: {  	v3 =	vld [tilespmem:s31+$0x18F10];
	_ =	sdelay $0x3  }
0x4e: {  	v63 =	vld [tilespmem:s31+$0x18F20];
	(xrf1) =	vunique.msk.u32 $0xffff, v2  }
0x4f: {  	(xrf1) =	vunique.msk.u32 $0xffff, v3  }
0x50: {  	v1 =	vld [tilespmem:s31+$0x18F30];
	_ =	sdelay $0x2  }
0x51: {  	(xrf1) =	vunique.msk.u32 $0xffff, v63;
	_ =	sdelay $0x1  }
0x52: {  	(xrf1) =	vunique.msk.u32 $0xffff, v1;
	_ =	sdelay $0x6  }
0x53: {  	_, v5, vm0 =	vpop (xrf1)  }
0x54: {  	_, v5, vm1 =	vpop (xrf1);
	_ =	sdelay $0x3  }
0x55: {  	v0 =	vadd.s32 $0x40, v0;
	_, v5, vm2 =	vpop (xrf1)  }
0x56: {  	[tilespmem:v2+s4+$0x0] =	vst.idx.msk vm0, v0;
	v2 =	vadd.s32 $0x10, v0  }
0x57: {  	[tilespmem:v3+s4+$0x0] =	vst.idx.msk vm1, v2;
	_, v3, vm0 =	vpop (xrf1);
	_ =	sdelay $0x2  }
0x58: {  	v2 =	vadd.s32 $0x20, v0  }
0x59: {  	s23 =	simm.s32 $0x100;
	s22 =	simm.s32 $0x200;
	[tilespmem:v63+s4+$0x0] =	vst.idx.msk vm2, v2;
	v2 =	vadd.s32 $0x30, v0  }
.LBB2_4:
0x5a: {  	p0 =	sne.s32 s22, $0x1F00  }
0x5b: {  	s24 =	sshra.s32 s23, $0x2;
	[tilespmem:v1+s4+$0x0] =	vst.idx.msk vm0, v2;
	v0 =	vadd.s32 $0x40, v0;
	s23 =	smov.u32 s22;
	s22 =	sadd.s32 $0x100, s22  }
0x5c: {  	v2 =	vld [tilespmem:s24+$0x18F00]  }
0x5d: {  	v3 =	vld [tilespmem:s24+$0x18F10]  }
0x5e: {  	v4 =	vld [tilespmem:s24+$0x18F20]  }
0x5f: {  	v1 =	vld [tilespmem:s24+$0x18F30];
	_ =	sdelay $0x1  }
0x60: {  	(xrf1) =	vunique.msk.u32 $0xffff, v2  }
0x61: {  	(xrf1) =	vunique.msk.u32 $0xffff, v3  }
0x62: {  	(xrf1) =	vunique.msk.u32 $0xffff, v4  }
0x63: {  	(xrf1) =	vunique.msk.u32 $0xffff, v1;
	_ =	sdelay $0xa  }
0x64: {  	_, v5, vm1 =	vpop (xrf1)  }
0x65: {  	_, v5, vm2 =	vpop (xrf1)  }
0x66: {  	_, v5, vm3 =	vpop (xrf1)  }
0x67: {  	_, v5, vm0 =	vpop (xrf1)  }
.Ltmp1:
0x68: {  	(pc) =	sbr.rel @p0 .LBB2_4-.Ltmp1, $4  }
0x69: {  	_ = 	snop  }
0x6a: {  	[tilespmem:v2+s4+$0x0] =	vst.idx.msk vm1, v0;
	v2 =	vadd.s32 $0x10, v0  }
0x6b: {  	[tilespmem:v3+s4+$0x0] =	vst.idx.msk vm2, v2;
	v2 =	vadd.s32 $0x20, v0  }
0x6c: {  	[tilespmem:v4+s4+$0x0] =	vst.idx.msk vm3, v2;
	v2 =	vadd.s32 $0x30, v0  }
0x6d: {  	_ =	sdelay $0x4  }
0x6e: {  	s22 =	sshra.s32 s23, $0x2;
	[tilespmem:v1+s4+$0x0] =	vst.idx.msk vm0, v2  }
0x6f: {  	v1 =	vld [tilespmem:s22+$0x18F00]  }
0x70: {  	v2 =	vld [tilespmem:s22+$0x18F10]  }
0x71: {  	v3 =	vld [tilespmem:s22+$0x18F20]  }
0x72: {  	v4 =	vld [tilespmem:s22+$0x18F30];
	_ =	sdelay $0x1  }
0x73: {  	(xrf1) =	vunique.msk.u32 $0xffff, v1  }
0x74: {  	(xrf1) =	vunique.msk.u32 $0xffff, v2  }
0x75: {  	(xrf1) =	vunique.msk.u32 $0xffff, v3  }
0x76: {  	(xrf1) =	vunique.msk.u32 $0xffff, v4;
	_ =	sdelay $0xa  }
0x77: {  	_, v5, vm15 =	vpop (xrf1)  }
0x78: {  	_, v5, vm1 =	vpop (xrf1)  }
0x79: {  	_, v5, vm2 =	vpop (xrf1)  }
0x7a: {  	_, v5, vm3 =	vpop (xrf1);
	_ =	sdelay $0x1  }
0x7b: {  	v0 =	vadd.s32 $0x40, v0  }
0x7c: {  	v62 =	vadd.s32 $0x10, v0;
	[tilespmem:v1+s4+$0x0] =	vst.idx.msk vm15, v0  }
0x7d: {  	v63 =	vadd.s32 $0x20, v0;
	[tilespmem:v2+s4+$0x0] =	vst.idx.msk vm1, v62  }
0x7e: {  	v0 =	vadd.s32 $0x30, v0;
	[tilespmem:v3+s4+$0x0] =	vst.idx.msk vm2, v63  }
0x7f: {  	[tilespmem:v4+s4+$0x0] =	vst.idx.msk vm3, v0  }
0x80: {  	v0 =	vld [tilespmem:s5+$0x18700];
	_ =	sdelay $0x7  }
0x81: {  	v0 =	vld.idx.msk [tilespmem:v0+s4+$0x0], $0xffff;
	_ =	sdelay $0x4  }
0x82: {  	[tilespmem:$0x19700] =	vst v0  }
0x83: {  	v0 =	vld [tilespmem:s5+$0x18710];
	_ =	sdelay $0x7  }
0x84: {  	v0 =	vld.idx.msk [tilespmem:v0+s4+$0x0], $0xffff;
	_ =	sdelay $0x4  }
0x85: {  	[tilespmem:$0x19710] =	vst v0  }
0x86: {  	v0 =	vld [tilespmem:s5+$0x18720];
	_ =	sdelay $0x7  }
0x87: {  	v0 =	vld.idx.msk [tilespmem:v0+s4+$0x0], $0xffff;
	_ =	sdelay $0x4  }
0x88: {  	[tilespmem:$0x19720] =	vst v0  }
0x89: {  	v0 =	vld [tilespmem:s5+$0x18730];
	_ =	sdelay $0x7  }
0x8a: {  	v0 =	vld.idx.msk [tilespmem:v0+s4+$0x0], $0xffff;
	_ =	sdelay $0x4  }
0x8b: {  	[tilespmem:$0x19730] =	vst v0  }
0x8c: {  	v0 =	vld [tilespmem:s5+$0x18740];
	_ =	sdelay $0x7  }
0x8d: {  	v0 =	vld.idx.msk [tilespmem:v0+s4+$0x0], $0xffff;
	_ =	sdelay $0x4  }
0x8e: {  	[tilespmem:$0x19740] =	vst v0  }
0x8f: {  	v0 =	vld [tilespmem:s5+$0x18750];
	_ =	sdelay $0x7  }
0x90: {  	v0 =	vld.idx.msk [tilespmem:v0+s4+$0x0], $0xffff;
	_ =	sdelay $0x4  }
0x91: {  	[tilespmem:$0x19750] =	vst v0  }
0x92: {  	v0 =	vld [tilespmem:s5+$0x18760];
	_ =	sdelay $0x7  }
0x93: {  	v0 =	vld.idx.msk [tilespmem:v0+s4+$0x0], $0xffff;
	_ =	sdelay $0x4  }
0x94: {  	[tilespmem:$0x19760] =	vst v0  }
0x95: {  	v0 =	vld [tilespmem:s5+$0x18770];
	_ =	sdelay $0x7  }
0x96: {  	v0 =	vld.idx.msk [tilespmem:v0+s4+$0x0], $0xffff;
	_ =	sdelay $0x4  }
0x97: {  	[tilespmem:$0x19770] =	vst v0  }
0x98: {  	[tilespmem:s16], [sflag:$0x1] =	stream.indirect.gather [hbm4b:s3+s14], $0x80, s15, s14, $0xb8;
	[tilespmem:$0x1D780] =	vst v63  }
0x99: {  	_ = 	snop  }
0x9a: {  	[tilespmem:s18], [sflag:$0x3] =	stream.indirect.gather [hbm4b:s3+s14], $0x80, s17, s14, $0xb8;
	[tilespmem:$0x1D780] =	vst v63  }
0x9b: {  	_ =	swait.ge [sflag:s19], $0x2000  }
0x9c: {  	[sflag:s19] =	ssyncset.done $0x0  }
0x9d: {  	[sflag:s19] =	ssyncadd.s32 $0xFFFFE000  }
0x9e: {  	[hbm4b:s7+s4] =	stream.linear.scatter [tilespmem:s16], [sflag:$0x2], $0x2000, $0x38;
	[tilespmem:$0x1D780] =	vst v63  }
0x9f: {  	_ =	swait.ge [sflag:s13], $0x2000  }
0xa0: {  	[sflag:s13] =	ssyncset.done $0x0  }
0xa1: {  	s21 =	sadd.s32 $0x1, s21;
	[sflag:s13] =	ssyncadd.s32 $0xFFFFE000  }
0xa2: {  	[hbm4b:s8+s4] =	stream.linear.scatter [tilespmem:s18], [sflag:$0x2], $0x2000, $0x38;
	[tilespmem:$0x1D780] =	vst v63  }
0xa3: {  	p0 =	sne.s32 s21, s9;
	_ =	swait.ge [sflag:s20], $0x2000  }
.Ltmp2:
0xa4: {  	[sflag:s20] =	ssyncset.done $0x0;
	(pc) =	sbr.rel @p0 .LBB2_1-.Ltmp2, $4  }
0xa5: {  	[sflag:s20] =	ssyncadd.s32 $0xFFFFE000  }
0xa6: {  	_ =	swait.ge [sflag:s20], $0x2000  }
0xa7: {  	[sflag:s20] =	ssyncset.done $0x0  }
0xa8: {  	[sflag:s20] =	ssyncadd.s32 $0xFFFFE000  }
0xa9: {  	_ =	sfence.sel $0x180000  }
0xaa: {  	[bflag:$0x0] =	sbarrier.arrive $0xFFFF  }
0xab: {  	p0 =	sne.s32 s2, $0x0;
	_ =	strace $0x90000047  }
0xac: {  	s0 =	sadd.s32 @!p0 $0x100000, s0;
	[bflag:$0x2] =	sbarrier.arrive $0xFFFF  }
0xad: {  	[sflag:s0] =	ssyncadd.tile.s32 @!p0 $0x1;
	_ =	shalt  }
.Lfunc_end2:
_tile_overlayer_lowered:
.L_overlay_start_2:
0xae: {  	(tag) =	ssettag $0x2  }
0xaf: {  	s0 =	rddreg [dreg:$0x0];
	s2 =	stileid.u32  }
0xb0: {  	s1 =	rddreg [dreg:$0x1];
	p0 =	sne.s32 s2, $0x0  }
0xb1: {  	s3 =	rddreg [dreg:$0x2];
	[bflag:$0x3] =	sbarrier.arrive $0xFFFF;
	s2 =	simm.s32 @!p0 $0x1C04  }
0xb2: {  	[timem:s3], [sflag:s2] =	dma.local @!p0 [hbm:s0], s1  }
0xb3: {  	s0 =	simm.s32 @!p0 $0x4  }
0xb4: {  	_ =	swait.ge @!p0 [sflag:s0], s1  }
0xb5: {  	s1 =	ssub.s32 @!p0 $0x0, s1;
	[sflag:s0] =	ssyncset.done @!p0 $0x0  }
0xb6: {  	[sflag:s0] =	ssyncadd.s32 @!p0 s1  }
0xb7: {  	[bflag:$0x3] =	sbarrier.arrive $0xFFFF  }
0xb8: {  	_ =	shalt  }

</sc_bundles>
